<compile_context>
chip_gen: v7x
topology: tpu7x:2x2x1
jax: 0.10.2.dev20260603
libtpu: 0.0.44.dev20260713+nightly
codegen_flags: <defaults>
</compile_context>

<pallas_src>
import functools

import jax
import jax.numpy as jnp
from jax import lax
from jax.experimental import pallas as pl
from jax.experimental.pallas import tpu as pltpu
from jax.experimental.pallas import tpu_sc as plsc

_NUM_CORES = 2
_NUM_SUBCORES = 16
_NUM_WORKERS = _NUM_CORES * _NUM_SUBCORES
_CHUNK = 40
_NBUF = 8


@functools.lru_cache(maxsize=None)
def _make_gather(V, D, B):
  assert B % _NUM_WORKERS == 0
  b_per_w = B // _NUM_WORKERS
  assert b_per_w % _CHUNK == 0
  n_chunks = b_per_w // _CHUNK
  n_bodies = n_chunks // _NBUF
  n_tail = n_chunks - n_bodies * _NBUF
  mesh = plsc.VectorSubcoreMesh(core_axis_name="c", subcore_axis_name="s")

  @functools.partial(
      pl.kernel,
      mesh=mesh,
      out_type=jax.ShapeDtypeStruct((B, D), jnp.float32),
      scratch_types=[
          pltpu.VMEM_SHARED((V, D), jnp.float32),
          pltpu.VMEM((b_per_w,), jnp.int32),
      ] + [pltpu.VMEM((_CHUNK, D), jnp.float32) for _ in range(_NBUF)]
        + [pltpu.SemaphoreType.DMA for _ in range(2 * _NBUF)],
  )
  def gather_kernel(table_hbm, idx_hbm, out_hbm, table_sh, idx_v, *bufs):
    rows_v = bufs[:_NBUF]
    sg = bufs[_NBUF:2 * _NBUF]
    ss = bufs[2 * _NBUF:3 * _NBUF]
    sid = lax.axis_index("s")
    wid = sid * _NUM_CORES + lax.axis_index("c")
    base = wid * b_per_w

    even = (V // _NUM_SUBCORES) // 8 * 8
    last = V - (_NUM_SUBCORES - 1) * even
    pltpu.sync_copy(idx_hbm.at[pl.ds(base, b_per_w)], idx_v)

    first_gathers = [
        pltpu.async_copy(
            table_hbm.at[idx_v.at[pl.ds(b * _CHUNK, _CHUNK)]], rows_v[b],
            sg[b]) for b in range(_NBUF)
    ]

    @pl.when(sid < _NUM_SUBCORES - 1)
    def _():
      pltpu.sync_copy(table_hbm.at[pl.ds(sid * even, even)],
                      table_sh.at[pl.ds(sid * even, even)])

    @pl.when(sid == _NUM_SUBCORES - 1)
    def _():
      pltpu.sync_copy(table_hbm.at[pl.ds((_NUM_SUBCORES - 1) * even, last)],
                      table_sh.at[pl.ds((_NUM_SUBCORES - 1) * even, last)])

    def wait_store(b, chunk):
      pltpu.make_async_copy(
          rows_v[b], out_hbm.at[pl.ds(base + chunk * _CHUNK, _CHUNK)],
          ss[b]).wait()

    def start_store(b, chunk):
      return pltpu.async_copy(
          rows_v[b], out_hbm.at[pl.ds(base + chunk * _CHUNK, _CHUNK)], ss[b])

    def start_gather(b, chunk):
      return pltpu.async_copy(
          table_sh.at[idx_v.at[pl.ds(chunk * _CHUNK, _CHUNK)]], rows_v[b],
          sg[b])

    for b in range(_NBUF):
      first_gathers[b].wait()
      start_store(b, b)
    plsc.subcore_barrier()

    def body(j, carry):
      gathers = []
      for b in range(_NBUF):
        wait_store(b, (j - 1) * _NBUF + b)
        gathers.append(start_gather(b, j * _NBUF + b))
      for b in range(_NBUF):
        gathers[b].wait()
        start_store(b, j * _NBUF + b)
      return carry

    lax.fori_loop(1, n_bodies, body, None)
    for b in range(_NBUF):
      wait_store(b, (n_bodies - 1) * _NBUF + b)

    for t in range(n_tail):
      c = n_bodies * _NBUF + t
      off = base + c * _CHUNK
      start_gather(0, c).wait()
      pltpu.sync_copy(rows_v[0], out_hbm.at[pl.ds(off, _CHUNK)])

  return gather_kernel


def kernel(src, index):
  idx = index.astype(jnp.int32)
  return _make_gather(src.shape[0], src.shape[1], idx.shape[0])(src, idx)

# --- scband reference (transcript-rebuilt; emitter-appended) ---
"""Pipeline reference for scband-compressgnn-reconstruct-62448824484013 (READ-ONLY COPY).

The authoritative reference and input builder live on the scoring server;
editing this copy changes nothing except your own understanding.
"""

import jax, jax.numpy as jnp
import numpy as np


def setup_inputs(seed: int = 0) -> dict:
    key = jax.random.key(seed)
    k1, k2 = jax.random.split(key)
    src = jax.random.normal(k1, (10000, 128), dtype=jnp.float32)
    index = jax.random.randint(k2, (320000,), 0, 10000, dtype=jnp.int64 if jax.config.jax_enable_x64 else jnp.int32)
    return {"src": src, "index": index}


def reference(src, index):
    # torch: src.index_select(node_dim=-2, index) -> gather rows along axis -2
    return jnp.take(src, index, axis=-2)

if __name__ == "__main__":
    import jax
    _d = setup_inputs()
    print(jax.jit(kernel)(*tuple(_d.values())))

</pallas_src>

<mosaic_0001>
#map = affine_map<(d0, d1) -> (0, 0)>
#map1 = affine_map<(d0, d1) -> (0)>
module attributes {stable_mosaic.version = 14 : i64} {
  func.func @gather_kernel(%arg0: i32, %arg1: i32, %arg2: memref<10000x128xf32, #tpu.memory_space<hbm>>, %arg3: memref<320000xi32, #tpu.memory_space<hbm>>, %arg4: memref<320000x128xf32, #tpu.memory_space<hbm>>, %arg5: memref<10000x128xf32, #tpu.memory_space<vmem_shared>>, %arg6: memref<10000xi32, #tpu.memory_space<vmem>>, %arg7: memref<40x128xf32, #tpu.memory_space<vmem>>, %arg8: memref<40x128xf32, #tpu.memory_space<vmem>>, %arg9: memref<40x128xf32, #tpu.memory_space<vmem>>, %arg10: memref<40x128xf32, #tpu.memory_space<vmem>>, %arg11: memref<40x128xf32, #tpu.memory_space<vmem>>, %arg12: memref<40x128xf32, #tpu.memory_space<vmem>>, %arg13: memref<40x128xf32, #tpu.memory_space<vmem>>, %arg14: memref<40x128xf32, #tpu.memory_space<vmem>>, %arg15: memref<!tpu.dma_semaphore, #tpu.memory_space<semaphore_mem>>, %arg16: memref<!tpu.dma_semaphore, #tpu.memory_space<semaphore_mem>>, %arg17: memref<!tpu.dma_semaphore, #tpu.memory_space<semaphore_mem>>, %arg18: memref<!tpu.dma_semaphore, #tpu.memory_space<semaphore_mem>>, %arg19: memref<!tpu.dma_semaphore, #tpu.memory_space<semaphore_mem>>, %arg20: memref<!tpu.dma_semaphore, #tpu.memory_space<semaphore_mem>>, %arg21: memref<!tpu.dma_semaphore, #tpu.memory_space<semaphore_mem>>, %arg22: memref<!tpu.dma_semaphore, #tpu.memory_space<semaphore_mem>>, %arg23: memref<!tpu.dma_semaphore, #tpu.memory_space<semaphore_mem>>, %arg24: memref<!tpu.dma_semaphore, #tpu.memory_space<semaphore_mem>>, %arg25: memref<!tpu.dma_semaphore, #tpu.memory_space<semaphore_mem>>, %arg26: memref<!tpu.dma_semaphore, #tpu.memory_space<semaphore_mem>>, %arg27: memref<!tpu.dma_semaphore, #tpu.memory_space<semaphore_mem>>, %arg28: memref<!tpu.dma_semaphore, #tpu.memory_space<semaphore_mem>>, %arg29: memref<!tpu.dma_semaphore, #tpu.memory_space<semaphore_mem>>, %arg30: memref<!tpu.dma_semaphore, #tpu.memory_space<semaphore_mem>>) attributes {dimension_semantics = [#tpu.dimension_semantics<core_parallel>, #tpu.dimension_semantics<subcore_parallel>], iteration_bounds = array<i64: 2, 16>, scalar_prefetch = 0 : i64, scratch_operands = 26 : i64, tpu.core_type = #tpu.core_type<sc_vector_subcore>, window_params = [{transform_indices = #map}, {transform_indices = #map1}, {transform_indices = #map}]} {
    %mul3A = arith.constant 2 : i32
    %mul3A_0 = arith.muli %arg1, %mul3A : i32
    %add3A = arith.addi %mul3A_0, %arg0 : i32
    %mul3A_1 = arith.constant 10000 : i32
    %mul3A_2 = arith.muli %add3A, %mul3A_1 : i32
    "tpu.region"() ({
      %run_scoped3A = tpu.sem_alloc : memref<!tpu.dma_semaphore, #tpu.memory_space<semaphore_mem>>
      %dma_start3A_211 = tpu.memref_slice %arg3[%mul3A_2] : memref<320000xi32, #tpu.memory_space<hbm>> -> memref<10000xi32, #tpu.memory_space<hbm>>
      %dma_start3A_212 = tpu.memref_slice %arg3[%mul3A_2] : memref<320000xi32, #tpu.memory_space<hbm>> -> memref<10000xi32, #tpu.memory_space<hbm>>
      tpu.enqueue_dma source(%dma_start3A_212 : memref<10000xi32, #tpu.memory_space<hbm>>) target(%arg6 : memref<10000xi32, #tpu.memory_space<vmem>>) target_semaphore(%run_scoped3A : memref<!tpu.dma_semaphore, #tpu.memory_space<semaphore_mem>>)
      %dma_wait3A_213 = tpu.memref_slice %arg3[%mul3A_2] : memref<320000xi32, #tpu.memory_space<hbm>> -> memref<10000xi32, #tpu.memory_space<hbm>>
      %dma_wait3A_214 = tpu.memref_slice %arg3[%mul3A_2] : memref<320000xi32, #tpu.memory_space<hbm>> -> memref<10000xi32, #tpu.memory_space<hbm>>
      tpu.wait_dma2 semaphore(%run_scoped3A : memref<!tpu.dma_semaphore, #tpu.memory_space<semaphore_mem>>) src(%dma_wait3A_214 : memref<10000xi32, #tpu.memory_space<hbm>>) dst(%arg6 : memref<10000xi32, #tpu.memory_space<vmem>>)
      tpu.yield
    }) : () -> ()
    %dma_start3A = arith.constant 0 : i32
    %dma_start3A_3 = tpu.memref_slice %arg6[%dma_start3A] : memref<10000xi32, #tpu.memory_space<vmem>> -> memref<40xi32, #tpu.memory_space<vmem>>
    %dma_start3A_4 = arith.constant 0 : i32
    %dma_start3A_5 = arith.constant 0 : i32
    %dma_start3A_6 = tpu.memref_slice %arg2[%dma_start3A_4, %dma_start3A_5] : memref<10000x128xf32, #tpu.memory_space<hbm>> -> memref<10000x128xf32, #tpu.memory_space<hbm>>
    tpu.enqueue_indirect_dma source(%dma_start3A_6 : memref<10000x128xf32, #tpu.memory_space<hbm>>) target(%arg7 : memref<40x128xf32, #tpu.memory_space<vmem>>) offsets(%dma_start3A_3 : memref<40xi32, #tpu.memory_space<vmem>>) semaphore(%arg15 : memref<!tpu.dma_semaphore, #tpu.memory_space<semaphore_mem>>)
    %dma_start3A_7 = arith.constant 40 : i32
    %dma_start3A_8 = tpu.memref_slice %arg6[%dma_start3A_7] : memref<10000xi32, #tpu.memory_space<vmem>> -> memref<40xi32, #tpu.memory_space<vmem>>
    %dma_start3A_9 = arith.constant 0 : i32
    %dma_start3A_10 = arith.constant 0 : i32
    %dma_start3A_11 = tpu.memref_slice %arg2[%dma_start3A_9, %dma_start3A_10] : memref<10000x128xf32, #tpu.memory_space<hbm>> -> memref<10000x128xf32, #tpu.memory_space<hbm>>
    tpu.enqueue_indirect_dma source(%dma_start3A_11 : memref<10000x128xf32, #tpu.memory_space<hbm>>) target(%arg8 : memref<40x128xf32, #tpu.memory_space<vmem>>) offsets(%dma_start3A_8 : memref<40xi32, #tpu.memory_space<vmem>>) semaphore(%arg16 : memref<!tpu.dma_semaphore, #tpu.memory_space<semaphore_mem>>)
    %dma_start3A_12 = arith.constant 80 : i32
    %dma_start3A_13 = tpu.memref_slice %arg6[%dma_start3A_12] : memref<10000xi32, #tpu.memory_space<vmem>> -> memref<40xi32, #tpu.memory_space<vmem>>
    %dma_start3A_14 = arith.constant 0 : i32
    %dma_start3A_15 = arith.constant 0 : i32
    %dma_start3A_16 = tpu.memref_slice %arg2[%dma_start3A_14, %dma_start3A_15] : memref<10000x128xf32, #tpu.memory_space<hbm>> -> memref<10000x128xf32, #tpu.memory_space<hbm>>
    tpu.enqueue_indirect_dma source(%dma_start3A_16 : memref<10000x128xf32, #tpu.memory_space<hbm>>) target(%arg9 : memref<40x128xf32, #tpu.memory_space<vmem>>) offsets(%dma_start3A_13 : memref<40xi32, #tpu.memory_space<vmem>>) semaphore(%arg17 : memref<!tpu.dma_semaphore, #tpu.memory_space<semaphore_mem>>)
    %dma_start3A_17 = arith.constant 120 : i32
    %dma_start3A_18 = tpu.memref_slice %arg6[%dma_start3A_17] : memref<10000xi32, #tpu.memory_space<vmem>> -> memref<40xi32, #tpu.memory_space<vmem>>
    %dma_start3A_19 = arith.constant 0 : i32
    %dma_start3A_20 = arith.constant 0 : i32
    %dma_start3A_21 = tpu.memref_slice %arg2[%dma_start3A_19, %dma_start3A_20] : memref<10000x128xf32, #tpu.memory_space<hbm>> -> memref<10000x128xf32, #tpu.memory_space<hbm>>
    tpu.enqueue_indirect_dma source(%dma_start3A_21 : memref<10000x128xf32, #tpu.memory_space<hbm>>) target(%arg10 : memref<40x128xf32, #tpu.memory_space<vmem>>) offsets(%dma_start3A_18 : memref<40xi32, #tpu.memory_space<vmem>>) semaphore(%arg18 : memref<!tpu.dma_semaphore, #tpu.memory_space<semaphore_mem>>)
    %dma_start3A_22 = arith.constant 160 : i32
    %dma_start3A_23 = tpu.memref_slice %arg6[%dma_start3A_22] : memref<10000xi32, #tpu.memory_space<vmem>> -> memref<40xi32, #tpu.memory_space<vmem>>
    %dma_start3A_24 = arith.constant 0 : i32
    %dma_start3A_25 = arith.constant 0 : i32
    %dma_start3A_26 = tpu.memref_slice %arg2[%dma_start3A_24, %dma_start3A_25] : memref<10000x128xf32, #tpu.memory_space<hbm>> -> memref<10000x128xf32, #tpu.memory_space<hbm>>
    tpu.enqueue_indirect_dma source(%dma_start3A_26 : memref<10000x128xf32, #tpu.memory_space<hbm>>) target(%arg11 : memref<40x128xf32, #tpu.memory_space<vmem>>) offsets(%dma_start3A_23 : memref<40xi32, #tpu.memory_space<vmem>>) semaphore(%arg19 : memref<!tpu.dma_semaphore, #tpu.memory_space<semaphore_mem>>)
    %dma_start3A_27 = arith.constant 200 : i32
    %dma_start3A_28 = tpu.memref_slice %arg6[%dma_start3A_27] : memref<10000xi32, #tpu.memory_space<vmem>> -> memref<40xi32, #tpu.memory_space<vmem>>
    %dma_start3A_29 = arith.constant 0 : i32
    %dma_start3A_30 = arith.constant 0 : i32
    %dma_start3A_31 = tpu.memref_slice %arg2[%dma_start3A_29, %dma_start3A_30] : memref<10000x128xf32, #tpu.memory_space<hbm>> -> memref<10000x128xf32, #tpu.memory_space<hbm>>
    tpu.enqueue_indirect_dma source(%dma_start3A_31 : memref<10000x128xf32, #tpu.memory_space<hbm>>) target(%arg12 : memref<40x128xf32, #tpu.memory_space<vmem>>) offsets(%dma_start3A_28 : memref<40xi32, #tpu.memory_space<vmem>>) semaphore(%arg20 : memref<!tpu.dma_semaphore, #tpu.memory_space<semaphore_mem>>)
    %dma_start3A_32 = arith.constant 240 : i32
    %dma_start3A_33 = tpu.memref_slice %arg6[%dma_start3A_32] : memref<10000xi32, #tpu.memory_space<vmem>> -> memref<40xi32, #tpu.memory_space<vmem>>
    %dma_start3A_34 = arith.constant 0 : i32
    %dma_start3A_35 = arith.constant 0 : i32
    %dma_start3A_36 = tpu.memref_slice %arg2[%dma_start3A_34, %dma_start3A_35] : memref<10000x128xf32, #tpu.memory_space<hbm>> -> memref<10000x128xf32, #tpu.memory_space<hbm>>
    tpu.enqueue_indirect_dma source(%dma_start3A_36 : memref<10000x128xf32, #tpu.memory_space<hbm>>) target(%arg13 : memref<40x128xf32, #tpu.memory_space<vmem>>) offsets(%dma_start3A_33 : memref<40xi32, #tpu.memory_space<vmem>>) semaphore(%arg21 : memref<!tpu.dma_semaphore, #tpu.memory_space<semaphore_mem>>)
    %dma_start3A_37 = arith.constant 280 : i32
    %dma_start3A_38 = tpu.memref_slice %arg6[%dma_start3A_37] : memref<10000xi32, #tpu.memory_space<vmem>> -> memref<40xi32, #tpu.memory_space<vmem>>
    %dma_start3A_39 = arith.constant 0 : i32
    %dma_start3A_40 = arith.constant 0 : i32
    %dma_start3A_41 = tpu.memref_slice %arg2[%dma_start3A_39, %dma_start3A_40] : memref<10000x128xf32, #tpu.memory_space<hbm>> -> memref<10000x128xf32, #tpu.memory_space<hbm>>
    tpu.enqueue_indirect_dma source(%dma_start3A_41 : memref<10000x128xf32, #tpu.memory_space<hbm>>) target(%arg14 : memref<40x128xf32, #tpu.memory_space<vmem>>) offsets(%dma_start3A_38 : memref<40xi32, #tpu.memory_space<vmem>>) semaphore(%arg22 : memref<!tpu.dma_semaphore, #tpu.memory_space<semaphore_mem>>)
    %lt3A = arith.constant 15 : i32
    %lt3A_42 = arith.cmpi slt, %arg1, %lt3A : i32
    %convert_element_type3A = arith.extui %lt3A_42 : i1 to i32
    %cond3A = arith.constant 0 : i32
    %cond3A_43 = arith.cmpi ne, %convert_element_type3A, %cond3A : i32
    scf.if %cond3A_43 {
      %mul3A_211 = arith.constant 624 : i32
      %mul3A_212 = arith.muli %arg1, %mul3A_211 : i32
      %mul3A_213 = arith.constant 624 : i32
      %mul3A_214 = arith.muli %arg1, %mul3A_213 : i32
      "tpu.region"() ({
        %run_scoped3A = tpu.sem_alloc : memref<!tpu.dma_semaphore, #tpu.memory_space<semaphore_mem>>
        %dma_start3A_215 = arith.constant 0 : i32
        %dma_start3A_216 = tpu.memref_slice %arg5[%mul3A_214, %dma_start3A_215] : memref<10000x128xf32, #tpu.memory_space<vmem_shared>> -> memref<624x128xf32, #tpu.memory_space<vmem_shared>>
        %dma_start3A_217 = arith.constant 0 : i32
        %dma_start3A_218 = tpu.memref_slice %arg2[%mul3A_212, %dma_start3A_217] : memref<10000x128xf32, #tpu.memory_space<hbm>> -> memref<624x128xf32, #tpu.memory_space<hbm>>
        tpu.enqueue_dma source(%dma_start3A_218 : memref<624x128xf32, #tpu.memory_space<hbm>>) target(%dma_start3A_216 : memref<624x128xf32, #tpu.memory_space<vmem_shared>>) target_semaphore(%run_scoped3A : memref<!tpu.dma_semaphore, #tpu.memory_space<semaphore_mem>>)
        %dma_wait3A_219 = arith.constant 0 : i32
        %dma_wait3A_220 = tpu.memref_slice %arg5[%mul3A_214, %dma_wait3A_219] : memref<10000x128xf32, #tpu.memory_space<vmem_shared>> -> memref<624x128xf32, #tpu.memory_space<vmem_shared>>
        %dma_wait3A_221 = arith.constant 0 : i32
        %dma_wait3A_222 = tpu.memref_slice %arg2[%mul3A_212, %dma_wait3A_221] : memref<10000x128xf32, #tpu.memory_space<hbm>> -> memref<624x128xf32, #tpu.memory_space<hbm>>
        tpu.wait_dma2 semaphore(%run_scoped3A : memref<!tpu.dma_semaphore, #tpu.memory_space<semaphore_mem>>) src(%dma_wait3A_222 : memref<624x128xf32, #tpu.memory_space<hbm>>) dst(%dma_wait3A_220 : memref<624x128xf32, #tpu.memory_space<vmem_shared>>)
        tpu.yield
      }) : () -> ()
    } else {
    }
    %eq3A = arith.constant 15 : i32
    %eq3A_44 = arith.cmpi eq, %arg1, %eq3A : i32
    %convert_element_type3A_45 = arith.extui %eq3A_44 : i1 to i32
    %cond3A_46 = arith.constant 0 : i32
    %cond3A_47 = arith.cmpi ne, %convert_element_type3A_45, %cond3A_46 : i32
    scf.if %cond3A_47 {
      "tpu.region"() ({
        %run_scoped3A = tpu.sem_alloc : memref<!tpu.dma_semaphore, #tpu.memory_space<semaphore_mem>>
        %dma_start3A_211 = arith.constant 9360 : i32
        %dma_start3A_212 = arith.constant 0 : i32
        %dma_start3A_213 = tpu.memref_slice %arg5[%dma_start3A_211, %dma_start3A_212] : memref<10000x128xf32, #tpu.memory_space<vmem_shared>> -> memref<640x128xf32, #tpu.memory_space<vmem_shared>>
        %dma_start3A_214 = arith.constant 9360 : i32
        %dma_start3A_215 = arith.constant 0 : i32
        %dma_start3A_216 = tpu.memref_slice %arg2[%dma_start3A_214, %dma_start3A_215] : memref<10000x128xf32, #tpu.memory_space<hbm>> -> memref<640x128xf32, #tpu.memory_space<hbm>>
        tpu.enqueue_dma source(%dma_start3A_216 : memref<640x128xf32, #tpu.memory_space<hbm>>) target(%dma_start3A_213 : memref<640x128xf32, #tpu.memory_space<vmem_shared>>) target_semaphore(%run_scoped3A : memref<!tpu.dma_semaphore, #tpu.memory_space<semaphore_mem>>)
        %dma_wait3A_217 = arith.constant 9360 : i32
        %dma_wait3A_218 = arith.constant 0 : i32
        %dma_wait3A_219 = tpu.memref_slice %arg5[%dma_wait3A_217, %dma_wait3A_218] : memref<10000x128xf32, #tpu.memory_space<vmem_shared>> -> memref<640x128xf32, #tpu.memory_space<vmem_shared>>
        %dma_wait3A_220 = arith.constant 9360 : i32
        %dma_wait3A_221 = arith.constant 0 : i32
        %dma_wait3A_222 = tpu.memref_slice %arg2[%dma_wait3A_220, %dma_wait3A_221] : memref<10000x128xf32, #tpu.memory_space<hbm>> -> memref<640x128xf32, #tpu.memory_space<hbm>>
        tpu.wait_dma2 semaphore(%run_scoped3A : memref<!tpu.dma_semaphore, #tpu.memory_space<semaphore_mem>>) src(%dma_wait3A_222 : memref<640x128xf32, #tpu.memory_space<hbm>>) dst(%dma_wait3A_219 : memref<640x128xf32, #tpu.memory_space<vmem_shared>>)
        tpu.yield
      }) : () -> ()
    } else {
    }
    %dma_wait3A = arith.constant 0 : i32
    %dma_wait3A_48 = tpu.memref_slice %arg6[%dma_wait3A] : memref<10000xi32, #tpu.memory_space<vmem>> -> memref<40xi32, #tpu.memory_space<vmem>>
    %dma_wait3A_49 = arith.constant 0 : i32
    %dma_wait3A_50 = arith.constant 0 : i32
    %dma_wait3A_51 = tpu.memref_slice %arg2[%dma_wait3A_49, %dma_wait3A_50] : memref<10000x128xf32, #tpu.memory_space<hbm>> -> memref<10000x128xf32, #tpu.memory_space<hbm>>
    tpu.wait_indirect_dma semaphore(%arg15 : memref<!tpu.dma_semaphore, #tpu.memory_space<semaphore_mem>>) src(%dma_wait3A_51 : memref<10000x128xf32, #tpu.memory_space<hbm>>) dst(%arg7 : memref<40x128xf32, #tpu.memory_space<vmem>>)
    %add3A_52 = arith.constant 0 : i32
    %add3A_53 = arith.addi %mul3A_2, %add3A_52 : i32
    %dma_start3A_54 = arith.constant 0 : i32
    %dma_start3A_55 = tpu.memref_slice %arg4[%add3A_53, %dma_start3A_54] : memref<320000x128xf32, #tpu.memory_space<hbm>> -> memref<40x128xf32, #tpu.memory_space<hbm>>
    %dma_start3A_56 = arith.constant 0 : i32
    %dma_start3A_57 = tpu.memref_slice %arg4[%add3A_53, %dma_start3A_56] : memref<320000x128xf32, #tpu.memory_space<hbm>> -> memref<40x128xf32, #tpu.memory_space<hbm>>
    tpu.enqueue_dma source(%arg7 : memref<40x128xf32, #tpu.memory_space<vmem>>) target(%dma_start3A_57 : memref<40x128xf32, #tpu.memory_space<hbm>>) target_semaphore(%arg23 : memref<!tpu.dma_semaphore, #tpu.memory_space<semaphore_mem>>)
    %dma_wait3A_58 = arith.constant 40 : i32
    %dma_wait3A_59 = tpu.memref_slice %arg6[%dma_wait3A_58] : memref<10000xi32, #tpu.memory_space<vmem>> -> memref<40xi32, #tpu.memory_space<vmem>>
    %dma_wait3A_60 = arith.constant 0 : i32
    %dma_wait3A_61 = arith.constant 0 : i32
    %dma_wait3A_62 = tpu.memref_slice %arg2[%dma_wait3A_60, %dma_wait3A_61] : memref<10000x128xf32, #tpu.memory_space<hbm>> -> memref<10000x128xf32, #tpu.memory_space<hbm>>
    tpu.wait_indirect_dma semaphore(%arg16 : memref<!tpu.dma_semaphore, #tpu.memory_space<semaphore_mem>>) src(%dma_wait3A_62 : memref<10000x128xf32, #tpu.memory_space<hbm>>) dst(%arg8 : memref<40x128xf32, #tpu.memory_space<vmem>>)
    %add3A_63 = arith.constant 40 : i32
    %add3A_64 = arith.addi %mul3A_2, %add3A_63 : i32
    %dma_start3A_65 = arith.constant 0 : i32
    %dma_start3A_66 = tpu.memref_slice %arg4[%add3A_64, %dma_start3A_65] : memref<320000x128xf32, #tpu.memory_space<hbm>> -> memref<40x128xf32, #tpu.memory_space<hbm>>
    %dma_start3A_67 = arith.constant 0 : i32
    %dma_start3A_68 = tpu.memref_slice %arg4[%add3A_64, %dma_start3A_67] : memref<320000x128xf32, #tpu.memory_space<hbm>> -> memref<40x128xf32, #tpu.memory_space<hbm>>
    tpu.enqueue_dma source(%arg8 : memref<40x128xf32, #tpu.memory_space<vmem>>) target(%dma_start3A_68 : memref<40x128xf32, #tpu.memory_space<hbm>>) target_semaphore(%arg24 : memref<!tpu.dma_semaphore, #tpu.memory_space<semaphore_mem>>)
    %dma_wait3A_69 = arith.constant 80 : i32
    %dma_wait3A_70 = tpu.memref_slice %arg6[%dma_wait3A_69] : memref<10000xi32, #tpu.memory_space<vmem>> -> memref<40xi32, #tpu.memory_space<vmem>>
    %dma_wait3A_71 = arith.constant 0 : i32
    %dma_wait3A_72 = arith.constant 0 : i32
    %dma_wait3A_73 = tpu.memref_slice %arg2[%dma_wait3A_71, %dma_wait3A_72] : memref<10000x128xf32, #tpu.memory_space<hbm>> -> memref<10000x128xf32, #tpu.memory_space<hbm>>
    tpu.wait_indirect_dma semaphore(%arg17 : memref<!tpu.dma_semaphore, #tpu.memory_space<semaphore_mem>>) src(%dma_wait3A_73 : memref<10000x128xf32, #tpu.memory_space<hbm>>) dst(%arg9 : memref<40x128xf32, #tpu.memory_space<vmem>>)
    %add3A_74 = arith.constant 80 : i32
    %add3A_75 = arith.addi %mul3A_2, %add3A_74 : i32
    %dma_start3A_76 = arith.constant 0 : i32
    %dma_start3A_77 = tpu.memref_slice %arg4[%add3A_75, %dma_start3A_76] : memref<320000x128xf32, #tpu.memory_space<hbm>> -> memref<40x128xf32, #tpu.memory_space<hbm>>
    %dma_start3A_78 = arith.constant 0 : i32
    %dma_start3A_79 = tpu.memref_slice %arg4[%add3A_75, %dma_start3A_78] : memref<320000x128xf32, #tpu.memory_space<hbm>> -> memref<40x128xf32, #tpu.memory_space<hbm>>
    tpu.enqueue_dma source(%arg9 : memref<40x128xf32, #tpu.memory_space<vmem>>) target(%dma_start3A_79 : memref<40x128xf32, #tpu.memory_space<hbm>>) target_semaphore(%arg25 : memref<!tpu.dma_semaphore, #tpu.memory_space<semaphore_mem>>)
    %dma_wait3A_80 = arith.constant 120 : i32
    %dma_wait3A_81 = tpu.memref_slice %arg6[%dma_wait3A_80] : memref<10000xi32, #tpu.memory_space<vmem>> -> memref<40xi32, #tpu.memory_space<vmem>>
    %dma_wait3A_82 = arith.constant 0 : i32
    %dma_wait3A_83 = arith.constant 0 : i32
    %dma_wait3A_84 = tpu.memref_slice %arg2[%dma_wait3A_82, %dma_wait3A_83] : memref<10000x128xf32, #tpu.memory_space<hbm>> -> memref<10000x128xf32, #tpu.memory_space<hbm>>
    tpu.wait_indirect_dma semaphore(%arg18 : memref<!tpu.dma_semaphore, #tpu.memory_space<semaphore_mem>>) src(%dma_wait3A_84 : memref<10000x128xf32, #tpu.memory_space<hbm>>) dst(%arg10 : memref<40x128xf32, #tpu.memory_space<vmem>>)
    %add3A_85 = arith.constant 120 : i32
    %add3A_86 = arith.addi %mul3A_2, %add3A_85 : i32
    %dma_start3A_87 = arith.constant 0 : i32
    %dma_start3A_88 = tpu.memref_slice %arg4[%add3A_86, %dma_start3A_87] : memref<320000x128xf32, #tpu.memory_space<hbm>> -> memref<40x128xf32, #tpu.memory_space<hbm>>
    %dma_start3A_89 = arith.constant 0 : i32
    %dma_start3A_90 = tpu.memref_slice %arg4[%add3A_86, %dma_start3A_89] : memref<320000x128xf32, #tpu.memory_space<hbm>> -> memref<40x128xf32, #tpu.memory_space<hbm>>
    tpu.enqueue_dma source(%arg10 : memref<40x128xf32, #tpu.memory_space<vmem>>) target(%dma_start3A_90 : memref<40x128xf32, #tpu.memory_space<hbm>>) target_semaphore(%arg26 : memref<!tpu.dma_semaphore, #tpu.memory_space<semaphore_mem>>)
    %dma_wait3A_91 = arith.constant 160 : i32
    %dma_wait3A_92 = tpu.memref_slice %arg6[%dma_wait3A_91] : memref<10000xi32, #tpu.memory_space<vmem>> -> memref<40xi32, #tpu.memory_space<vmem>>
    %dma_wait3A_93 = arith.constant 0 : i32
    %dma_wait3A_94 = arith.constant 0 : i32
    %dma_wait3A_95 = tpu.memref_slice %arg2[%dma_wait3A_93, %dma_wait3A_94] : memref<10000x128xf32, #tpu.memory_space<hbm>> -> memref<10000x128xf32, #tpu.memory_space<hbm>>
    tpu.wait_indirect_dma semaphore(%arg19 : memref<!tpu.dma_semaphore, #tpu.memory_space<semaphore_mem>>) src(%dma_wait3A_95 : memref<10000x128xf32, #tpu.memory_space<hbm>>) dst(%arg11 : memref<40x128xf32, #tpu.memory_space<vmem>>)
    %add3A_96 = arith.constant 160 : i32
    %add3A_97 = arith.addi %mul3A_2, %add3A_96 : i32
    %dma_start3A_98 = arith.constant 0 : i32
    %dma_start3A_99 = tpu.memref_slice %arg4[%add3A_97, %dma_start3A_98] : memref<320000x128xf32, #tpu.memory_space<hbm>> -> memref<40x128xf32, #tpu.memory_space<hbm>>
    %dma_start3A_100 = arith.constant 0 : i32
    %dma_start3A_101 = tpu.memref_slice %arg4[%add3A_97, %dma_start3A_100] : memref<320000x128xf32, #tpu.memory_space<hbm>> -> memref<40x128xf32, #tpu.memory_space<hbm>>
    tpu.enqueue_dma source(%arg11 : memref<40x128xf32, #tpu.memory_space<vmem>>) target(%dma_start3A_101 : memref<40x128xf32, #tpu.memory_space<hbm>>) target_semaphore(%arg27 : memref<!tpu.dma_semaphore, #tpu.memory_space<semaphore_mem>>)
    %dma_wait3A_102 = arith.constant 200 : i32
    %dma_wait3A_103 = tpu.memref_slice %arg6[%dma_wait3A_102] : memref<10000xi32, #tpu.memory_space<vmem>> -> memref<40xi32, #tpu.memory_space<vmem>>
    %dma_wait3A_104 = arith.constant 0 : i32
    %dma_wait3A_105 = arith.constant 0 : i32
    %dma_wait3A_106 = tpu.memref_slice %arg2[%dma_wait3A_104, %dma_wait3A_105] : memref<10000x128xf32, #tpu.memory_space<hbm>> -> memref<10000x128xf32, #tpu.memory_space<hbm>>
    tpu.wait_indirect_dma semaphore(%arg20 : memref<!tpu.dma_semaphore, #tpu.memory_space<semaphore_mem>>) src(%dma_wait3A_106 : memref<10000x128xf32, #tpu.memory_space<hbm>>) dst(%arg12 : memref<40x128xf32, #tpu.memory_space<vmem>>)
    %add3A_107 = arith.constant 200 : i32
    %add3A_108 = arith.addi %mul3A_2, %add3A_107 : i32
    %dma_start3A_109 = arith.constant 0 : i32
    %dma_start3A_110 = tpu.memref_slice %arg4[%add3A_108, %dma_start3A_109] : memref<320000x128xf32, #tpu.memory_space<hbm>> -> memref<40x128xf32, #tpu.memory_space<hbm>>
    %dma_start3A_111 = arith.constant 0 : i32
    %dma_start3A_112 = tpu.memref_slice %arg4[%add3A_108, %dma_start3A_111] : memref<320000x128xf32, #tpu.memory_space<hbm>> -> memref<40x128xf32, #tpu.memory_space<hbm>>
    tpu.enqueue_dma source(%arg12 : memref<40x128xf32, #tpu.memory_space<vmem>>) target(%dma_start3A_112 : memref<40x128xf32, #tpu.memory_space<hbm>>) target_semaphore(%arg28 : memref<!tpu.dma_semaphore, #tpu.memory_space<semaphore_mem>>)
    %dma_wait3A_113 = arith.constant 240 : i32
    %dma_wait3A_114 = tpu.memref_slice %arg6[%dma_wait3A_113] : memref<10000xi32, #tpu.memory_space<vmem>> -> memref<40xi32, #tpu.memory_space<vmem>>
    %dma_wait3A_115 = arith.constant 0 : i32
    %dma_wait3A_116 = arith.constant 0 : i32
    %dma_wait3A_117 = tpu.memref_slice %arg2[%dma_wait3A_115, %dma_wait3A_116] : memref<10000x128xf32, #tpu.memory_space<hbm>> -> memref<10000x128xf32, #tpu.memory_space<hbm>>
    tpu.wait_indirect_dma semaphore(%arg21 : memref<!tpu.dma_semaphore, #tpu.memory_space<semaphore_mem>>) src(%dma_wait3A_117 : memref<10000x128xf32, #tpu.memory_space<hbm>>) dst(%arg13 : memref<40x128xf32, #tpu.memory_space<vmem>>)
    %add3A_118 = arith.constant 240 : i32
    %add3A_119 = arith.addi %mul3A_2, %add3A_118 : i32
    %dma_start3A_120 = arith.constant 0 : i32
    %dma_start3A_121 = tpu.memref_slice %arg4[%add3A_119, %dma_start3A_120] : memref<320000x128xf32, #tpu.memory_space<hbm>> -> memref<40x128xf32, #tpu.memory_space<hbm>>
    %dma_start3A_122 = arith.constant 0 : i32
    %dma_start3A_123 = tpu.memref_slice %arg4[%add3A_119, %dma_start3A_122] : memref<320000x128xf32, #tpu.memory_space<hbm>> -> memref<40x128xf32, #tpu.memory_space<hbm>>
    tpu.enqueue_dma source(%arg13 : memref<40x128xf32, #tpu.memory_space<vmem>>) target(%dma_start3A_123 : memref<40x128xf32, #tpu.memory_space<hbm>>) target_semaphore(%arg29 : memref<!tpu.dma_semaphore, #tpu.memory_space<semaphore_mem>>)
    %dma_wait3A_124 = arith.constant 280 : i32
    %dma_wait3A_125 = tpu.memref_slice %arg6[%dma_wait3A_124] : memref<10000xi32, #tpu.memory_space<vmem>> -> memref<40xi32, #tpu.memory_space<vmem>>
    %dma_wait3A_126 = arith.constant 0 : i32
    %dma_wait3A_127 = arith.constant 0 : i32
    %dma_wait3A_128 = tpu.memref_slice %arg2[%dma_wait3A_126, %dma_wait3A_127] : memref<10000x128xf32, #tpu.memory_space<hbm>> -> memref<10000x128xf32, #tpu.memory_space<hbm>>
    tpu.wait_indirect_dma semaphore(%arg22 : memref<!tpu.dma_semaphore, #tpu.memory_space<semaphore_mem>>) src(%dma_wait3A_128 : memref<10000x128xf32, #tpu.memory_space<hbm>>) dst(%arg14 : memref<40x128xf32, #tpu.memory_space<vmem>>)
    %add3A_129 = arith.constant 280 : i32
    %add3A_130 = arith.addi %mul3A_2, %add3A_129 : i32
    %dma_start3A_131 = arith.constant 0 : i32
    %dma_start3A_132 = tpu.memref_slice %arg4[%add3A_130, %dma_start3A_131] : memref<320000x128xf32, #tpu.memory_space<hbm>> -> memref<40x128xf32, #tpu.memory_space<hbm>>
    %dma_start3A_133 = arith.constant 0 : i32
    %dma_start3A_134 = tpu.memref_slice %arg4[%add3A_130, %dma_start3A_133] : memref<320000x128xf32, #tpu.memory_space<hbm>> -> memref<40x128xf32, #tpu.memory_space<hbm>>
    tpu.enqueue_dma source(%arg14 : memref<40x128xf32, #tpu.memory_space<vmem>>) target(%dma_start3A_134 : memref<40x128xf32, #tpu.memory_space<hbm>>) target_semaphore(%arg30 : memref<!tpu.dma_semaphore, #tpu.memory_space<semaphore_mem>>)
    %barrier3A = arith.constant 0 : index
    tpu.barrier barrier_id(%barrier3A)
    %scan3A = arith.constant 1 : i32
    %scan3A_135 = arith.constant 30 : i32
    %scan3A_136 = arith.addi %scan3A, %scan3A_135 : i32
    %scan3A_137 = arith.constant 1 : i32
    scf.for %scan3A_211 = %scan3A to %scan3A_136 step %scan3A_137  : i32 {
      %sub3A = arith.constant 1 : i32
      %sub3A_212 = arith.subi %scan3A_211, %sub3A : i32
      %mul3A_213 = arith.constant 8 : i32
      %mul3A_214 = arith.muli %sub3A_212, %mul3A_213 : i32
      %add3A_215 = arith.constant 0 : i32
      %add3A_216 = arith.addi %mul3A_214, %add3A_215 : i32
      %mul3A_217 = arith.constant 40 : i32
      %mul3A_218 = arith.muli %add3A_216, %mul3A_217 : i32
      %add3A_219 = arith.addi %mul3A_2, %mul3A_218 : i32
      %dma_wait3A_220 = arith.constant 0 : i32
      %dma_wait3A_221 = tpu.memref_slice %arg4[%add3A_219, %dma_wait3A_220] : memref<320000x128xf32, #tpu.memory_space<hbm>> -> memref<40x128xf32, #tpu.memory_space<hbm>>
      %dma_wait3A_222 = arith.constant 0 : i32
      %dma_wait3A_223 = tpu.memref_slice %arg4[%add3A_219, %dma_wait3A_222] : memref<320000x128xf32, #tpu.memory_space<hbm>> -> memref<40x128xf32, #tpu.memory_space<hbm>>
      tpu.wait_dma2 semaphore(%arg23 : memref<!tpu.dma_semaphore, #tpu.memory_space<semaphore_mem>>) src(%arg7 : memref<40x128xf32, #tpu.memory_space<vmem>>) dst(%dma_wait3A_223 : memref<40x128xf32, #tpu.memory_space<hbm>>)
      %mul3A_224 = arith.constant 8 : i32
      %mul3A_225 = arith.muli %scan3A_211, %mul3A_224 : i32
      %add3A_226 = arith.constant 0 : i32
      %add3A_227 = arith.addi %mul3A_225, %add3A_226 : i32
      %mul3A_228 = arith.constant 40 : i32
      %mul3A_229 = arith.muli %add3A_227, %mul3A_228 : i32
      %dma_start3A_230 = tpu.memref_slice %arg6[%mul3A_229] : memref<10000xi32, #tpu.memory_space<vmem>> -> memref<40xi32, #tpu.memory_space<vmem>>
      %dma_start3A_231 = arith.constant 0 : i32
      %dma_start3A_232 = arith.constant 0 : i32
      %dma_start3A_233 = tpu.memref_slice %arg5[%dma_start3A_231, %dma_start3A_232] : memref<10000x128xf32, #tpu.memory_space<vmem_shared>> -> memref<10000x128xf32, #tpu.memory_space<vmem_shared>>
      tpu.enqueue_indirect_dma source(%dma_start3A_233 : memref<10000x128xf32, #tpu.memory_space<vmem_shared>>) target(%arg7 : memref<40x128xf32, #tpu.memory_space<vmem>>) offsets(%dma_start3A_230 : memref<40xi32, #tpu.memory_space<vmem>>) semaphore(%arg15 : memref<!tpu.dma_semaphore, #tpu.memory_space<semaphore_mem>>)
      %sub3A_234 = arith.constant 1 : i32
      %sub3A_235 = arith.subi %scan3A_211, %sub3A_234 : i32
      %mul3A_236 = arith.constant 8 : i32
      %mul3A_237 = arith.muli %sub3A_235, %mul3A_236 : i32
      %add3A_238 = arith.constant 1 : i32
      %add3A_239 = arith.addi %mul3A_237, %add3A_238 : i32
      %mul3A_240 = arith.constant 40 : i32
      %mul3A_241 = arith.muli %add3A_239, %mul3A_240 : i32
      %add3A_242 = arith.addi %mul3A_2, %mul3A_241 : i32
      %dma_wait3A_243 = arith.constant 0 : i32
      %dma_wait3A_244 = tpu.memref_slice %arg4[%add3A_242, %dma_wait3A_243] : memref<320000x128xf32, #tpu.memory_space<hbm>> -> memref<40x128xf32, #tpu.memory_space<hbm>>
      %dma_wait3A_245 = arith.constant 0 : i32
      %dma_wait3A_246 = tpu.memref_slice %arg4[%add3A_242, %dma_wait3A_245] : memref<320000x128xf32, #tpu.memory_space<hbm>> -> memref<40x128xf32, #tpu.memory_space<hbm>>
      tpu.wait_dma2 semaphore(%arg24 : memref<!tpu.dma_semaphore, #tpu.memory_space<semaphore_mem>>) src(%arg8 : memref<40x128xf32, #tpu.memory_space<vmem>>) dst(%dma_wait3A_246 : memref<40x128xf32, #tpu.memory_space<hbm>>)
      %mul3A_247 = arith.constant 8 : i32
      %mul3A_248 = arith.muli %scan3A_211, %mul3A_247 : i32
      %add3A_249 = arith.constant 1 : i32
      %add3A_250 = arith.addi %mul3A_248, %add3A_249 : i32
      %mul3A_251 = arith.constant 40 : i32
      %mul3A_252 = arith.muli %add3A_250, %mul3A_251 : i32
      %dma_start3A_253 = tpu.memref_slice %arg6[%mul3A_252] : memref<10000xi32, #tpu.memory_space<vmem>> -> memref<40xi32, #tpu.memory_space<vmem>>
      %dma_start3A_254 = arith.constant 0 : i32
      %dma_start3A_255 = arith.constant 0 : i32
      %dma_start3A_256 = tpu.memref_slice %arg5[%dma_start3A_254, %dma_start3A_255] : memref<10000x128xf32, #tpu.memory_space<vmem_shared>> -> memref<10000x128xf32, #tpu.memory_space<vmem_shared>>
      tpu.enqueue_indirect_dma source(%dma_start3A_256 : memref<10000x128xf32, #tpu.memory_space<vmem_shared>>) target(%arg8 : memref<40x128xf32, #tpu.memory_space<vmem>>) offsets(%dma_start3A_253 : memref<40xi32, #tpu.memory_space<vmem>>) semaphore(%arg16 : memref<!tpu.dma_semaphore, #tpu.memory_space<semaphore_mem>>)
      %sub3A_257 = arith.constant 1 : i32
      %sub3A_258 = arith.subi %scan3A_211, %sub3A_257 : i32
      %mul3A_259 = arith.constant 8 : i32
      %mul3A_260 = arith.muli %sub3A_258, %mul3A_259 : i32
      %add3A_261 = arith.constant 2 : i32
      %add3A_262 = arith.addi %mul3A_260, %add3A_261 : i32
      %mul3A_263 = arith.constant 40 : i32
      %mul3A_264 = arith.muli %add3A_262, %mul3A_263 : i32
      %add3A_265 = arith.addi %mul3A_2, %mul3A_264 : i32
      %dma_wait3A_266 = arith.constant 0 : i32
      %dma_wait3A_267 = tpu.memref_slice %arg4[%add3A_265, %dma_wait3A_266] : memref<320000x128xf32, #tpu.memory_space<hbm>> -> memref<40x128xf32, #tpu.memory_space<hbm>>
      %dma_wait3A_268 = arith.constant 0 : i32
      %dma_wait3A_269 = tpu.memref_slice %arg4[%add3A_265, %dma_wait3A_268] : memref<320000x128xf32, #tpu.memory_space<hbm>> -> memref<40x128xf32, #tpu.memory_space<hbm>>
      tpu.wait_dma2 semaphore(%arg25 : memref<!tpu.dma_semaphore, #tpu.memory_space<semaphore_mem>>) src(%arg9 : memref<40x128xf32, #tpu.memory_space<vmem>>) dst(%dma_wait3A_269 : memref<40x128xf32, #tpu.memory_space<hbm>>)
      %mul3A_270 = arith.constant 8 : i32
      %mul3A_271 = arith.muli %scan3A_211, %mul3A_270 : i32
      %add3A_272 = arith.constant 2 : i32
      %add3A_273 = arith.addi %mul3A_271, %add3A_272 : i32
      %mul3A_274 = arith.constant 40 : i32
      %mul3A_275 = arith.muli %add3A_273, %mul3A_274 : i32
      %dma_start3A_276 = tpu.memref_slice %arg6[%mul3A_275] : memref<10000xi32, #tpu.memory_space<vmem>> -> memref<40xi32, #tpu.memory_space<vmem>>
      %dma_start3A_277 = arith.constant 0 : i32
      %dma_start3A_278 = arith.constant 0 : i32
      %dma_start3A_279 = tpu.memref_slice %arg5[%dma_start3A_277, %dma_start3A_278] : memref<10000x128xf32, #tpu.memory_space<vmem_shared>> -> memref<10000x128xf32, #tpu.memory_space<vmem_shared>>
      tpu.enqueue_indirect_dma source(%dma_start3A_279 : memref<10000x128xf32, #tpu.memory_space<vmem_shared>>) target(%arg9 : memref<40x128xf32, #tpu.memory_space<vmem>>) offsets(%dma_start3A_276 : memref<40xi32, #tpu.memory_space<vmem>>) semaphore(%arg17 : memref<!tpu.dma_semaphore, #tpu.memory_space<semaphore_mem>>)
      %sub3A_280 = arith.constant 1 : i32
      %sub3A_281 = arith.subi %scan3A_211, %sub3A_280 : i32
      %mul3A_282 = arith.constant 8 : i32
      %mul3A_283 = arith.muli %sub3A_281, %mul3A_282 : i32
      %add3A_284 = arith.constant 3 : i32
      %add3A_285 = arith.addi %mul3A_283, %add3A_284 : i32
      %mul3A_286 = arith.constant 40 : i32
      %mul3A_287 = arith.muli %add3A_285, %mul3A_286 : i32
      %add3A_288 = arith.addi %mul3A_2, %mul3A_287 : i32
      %dma_wait3A_289 = arith.constant 0 : i32
      %dma_wait3A_290 = tpu.memref_slice %arg4[%add3A_288, %dma_wait3A_289] : memref<320000x128xf32, #tpu.memory_space<hbm>> -> memref<40x128xf32, #tpu.memory_space<hbm>>
      %dma_wait3A_291 = arith.constant 0 : i32
      %dma_wait3A_292 = tpu.memref_slice %arg4[%add3A_288, %dma_wait3A_291] : memref<320000x128xf32, #tpu.memory_space<hbm>> -> memref<40x128xf32, #tpu.memory_space<hbm>>
      tpu.wait_dma2 semaphore(%arg26 : memref<!tpu.dma_semaphore, #tpu.memory_space<semaphore_mem>>) src(%arg10 : memref<40x128xf32, #tpu.memory_space<vmem>>) dst(%dma_wait3A_292 : memref<40x128xf32, #tpu.memory_space<hbm>>)
      %mul3A_293 = arith.constant 8 : i32
      %mul3A_294 = arith.muli %scan3A_211, %mul3A_293 : i32
      %add3A_295 = arith.constant 3 : i32
      %add3A_296 = arith.addi %mul3A_294, %add3A_295 : i32
      %mul3A_297 = arith.constant 40 : i32
      %mul3A_298 = arith.muli %add3A_296, %mul3A_297 : i32
      %dma_start3A_299 = tpu.memref_slice %arg6[%mul3A_298] : memref<10000xi32, #tpu.memory_space<vmem>> -> memref<40xi32, #tpu.memory_space<vmem>>
      %dma_start3A_300 = arith.constant 0 : i32
      %dma_start3A_301 = arith.constant 0 : i32
      %dma_start3A_302 = tpu.memref_slice %arg5[%dma_start3A_300, %dma_start3A_301] : memref<10000x128xf32, #tpu.memory_space<vmem_shared>> -> memref<10000x128xf32, #tpu.memory_space<vmem_shared>>
      tpu.enqueue_indirect_dma source(%dma_start3A_302 : memref<10000x128xf32, #tpu.memory_space<vmem_shared>>) target(%arg10 : memref<40x128xf32, #tpu.memory_space<vmem>>) offsets(%dma_start3A_299 : memref<40xi32, #tpu.memory_space<vmem>>) semaphore(%arg18 : memref<!tpu.dma_semaphore, #tpu.memory_space<semaphore_mem>>)
      %sub3A_303 = arith.constant 1 : i32
      %sub3A_304 = arith.subi %scan3A_211, %sub3A_303 : i32
      %mul3A_305 = arith.constant 8 : i32
      %mul3A_306 = arith.muli %sub3A_304, %mul3A_305 : i32
      %add3A_307 = arith.constant 4 : i32
      %add3A_308 = arith.addi %mul3A_306, %add3A_307 : i32
      %mul3A_309 = arith.constant 40 : i32
      %mul3A_310 = arith.muli %add3A_308, %mul3A_309 : i32
      %add3A_311 = arith.addi %mul3A_2, %mul3A_310 : i32
      %dma_wait3A_312 = arith.constant 0 : i32
      %dma_wait3A_313 = tpu.memref_slice %arg4[%add3A_311, %dma_wait3A_312] : memref<320000x128xf32, #tpu.memory_space<hbm>> -> memref<40x128xf32, #tpu.memory_space<hbm>>
      %dma_wait3A_314 = arith.constant 0 : i32
      %dma_wait3A_315 = tpu.memref_slice %arg4[%add3A_311, %dma_wait3A_314] : memref<320000x128xf32, #tpu.memory_space<hbm>> -> memref<40x128xf32, #tpu.memory_space<hbm>>
      tpu.wait_dma2 semaphore(%arg27 : memref<!tpu.dma_semaphore, #tpu.memory_space<semaphore_mem>>) src(%arg11 : memref<40x128xf32, #tpu.memory_space<vmem>>) dst(%dma_wait3A_315 : memref<40x128xf32, #tpu.memory_space<hbm>>)
      %mul3A_316 = arith.constant 8 : i32
      %mul3A_317 = arith.muli %scan3A_211, %mul3A_316 : i32
      %add3A_318 = arith.constant 4 : i32
      %add3A_319 = arith.addi %mul3A_317, %add3A_318 : i32
      %mul3A_320 = arith.constant 40 : i32
      %mul3A_321 = arith.muli %add3A_319, %mul3A_320 : i32
      %dma_start3A_322 = tpu.memref_slice %arg6[%mul3A_321] : memref<10000xi32, #tpu.memory_space<vmem>> -> memref<40xi32, #tpu.memory_space<vmem>>
      %dma_start3A_323 = arith.constant 0 : i32
      %dma_start3A_324 = arith.constant 0 : i32
      %dma_start3A_325 = tpu.memref_slice %arg5[%dma_start3A_323, %dma_start3A_324] : memref<10000x128xf32, #tpu.memory_space<vmem_shared>> -> memref<10000x128xf32, #tpu.memory_space<vmem_shared>>
      tpu.enqueue_indirect_dma source(%dma_start3A_325 : memref<10000x128xf32, #tpu.memory_space<vmem_shared>>) target(%arg11 : memref<40x128xf32, #tpu.memory_space<vmem>>) offsets(%dma_start3A_322 : memref<40xi32, #tpu.memory_space<vmem>>) semaphore(%arg19 : memref<!tpu.dma_semaphore, #tpu.memory_space<semaphore_mem>>)
      %sub3A_326 = arith.constant 1 : i32
      %sub3A_327 = arith.subi %scan3A_211, %sub3A_326 : i32
      %mul3A_328 = arith.constant 8 : i32
      %mul3A_329 = arith.muli %sub3A_327, %mul3A_328 : i32
      %add3A_330 = arith.constant 5 : i32
      %add3A_331 = arith.addi %mul3A_329, %add3A_330 : i32
      %mul3A_332 = arith.constant 40 : i32
      %mul3A_333 = arith.muli %add3A_331, %mul3A_332 : i32
      %add3A_334 = arith.addi %mul3A_2, %mul3A_333 : i32
      %dma_wait3A_335 = arith.constant 0 : i32
      %dma_wait3A_336 = tpu.memref_slice %arg4[%add3A_334, %dma_wait3A_335] : memref<320000x128xf32, #tpu.memory_space<hbm>> -> memref<40x128xf32, #tpu.memory_space<hbm>>
      %dma_wait3A_337 = arith.constant 0 : i32
      %dma_wait3A_338 = tpu.memref_slice %arg4[%add3A_334, %dma_wait3A_337] : memref<320000x128xf32, #tpu.memory_space<hbm>> -> memref<40x128xf32, #tpu.memory_space<hbm>>
      tpu.wait_dma2 semaphore(%arg28 : memref<!tpu.dma_semaphore, #tpu.memory_space<semaphore_mem>>) src(%arg12 : memref<40x128xf32, #tpu.memory_space<vmem>>) dst(%dma_wait3A_338 : memref<40x128xf32, #tpu.memory_space<hbm>>)
      %mul3A_339 = arith.constant 8 : i32
      %mul3A_340 = arith.muli %scan3A_211, %mul3A_339 : i32
      %add3A_341 = arith.constant 5 : i32
      %add3A_342 = arith.addi %mul3A_340, %add3A_341 : i32
      %mul3A_343 = arith.constant 40 : i32
      %mul3A_344 = arith.muli %add3A_342, %mul3A_343 : i32
      %dma_start3A_345 = tpu.memref_slice %arg6[%mul3A_344] : memref<10000xi32, #tpu.memory_space<vmem>> -> memref<40xi32, #tpu.memory_space<vmem>>
      %dma_start3A_346 = arith.constant 0 : i32
      %dma_start3A_347 = arith.constant 0 : i32
      %dma_start3A_348 = tpu.memref_slice %arg5[%dma_start3A_346, %dma_start3A_347] : memref<10000x128xf32, #tpu.memory_space<vmem_shared>> -> memref<10000x128xf32, #tpu.memory_space<vmem_shared>>
      tpu.enqueue_indirect_dma source(%dma_start3A_348 : memref<10000x128xf32, #tpu.memory_space<vmem_shared>>) target(%arg12 : memref<40x128xf32, #tpu.memory_space<vmem>>) offsets(%dma_start3A_345 : memref<40xi32, #tpu.memory_space<vmem>>) semaphore(%arg20 : memref<!tpu.dma_semaphore, #tpu.memory_space<semaphore_mem>>)
      %sub3A_349 = arith.constant 1 : i32
      %sub3A_350 = arith.subi %scan3A_211, %sub3A_349 : i32
      %mul3A_351 = arith.constant 8 : i32
      %mul3A_352 = arith.muli %sub3A_350, %mul3A_351 : i32
      %add3A_353 = arith.constant 6 : i32
      %add3A_354 = arith.addi %mul3A_352, %add3A_353 : i32
      %mul3A_355 = arith.constant 40 : i32
      %mul3A_356 = arith.muli %add3A_354, %mul3A_355 : i32
      %add3A_357 = arith.addi %mul3A_2, %mul3A_356 : i32
      %dma_wait3A_358 = arith.constant 0 : i32
      %dma_wait3A_359 = tpu.memref_slice %arg4[%add3A_357, %dma_wait3A_358] : memref<320000x128xf32, #tpu.memory_space<hbm>> -> memref<40x128xf32, #tpu.memory_space<hbm>>
      %dma_wait3A_360 = arith.constant 0 : i32
      %dma_wait3A_361 = tpu.memref_slice %arg4[%add3A_357, %dma_wait3A_360] : memref<320000x128xf32, #tpu.memory_space<hbm>> -> memref<40x128xf32, #tpu.memory_space<hbm>>
      tpu.wait_dma2 semaphore(%arg29 : memref<!tpu.dma_semaphore, #tpu.memory_space<semaphore_mem>>) src(%arg13 : memref<40x128xf32, #tpu.memory_space<vmem>>) dst(%dma_wait3A_361 : memref<40x128xf32, #tpu.memory_space<hbm>>)
      %mul3A_362 = arith.constant 8 : i32
      %mul3A_363 = arith.muli %scan3A_211, %mul3A_362 : i32
      %add3A_364 = arith.constant 6 : i32
      %add3A_365 = arith.addi %mul3A_363, %add3A_364 : i32
      %mul3A_366 = arith.constant 40 : i32
      %mul3A_367 = arith.muli %add3A_365, %mul3A_366 : i32
      %dma_start3A_368 = tpu.memref_slice %arg6[%mul3A_367] : memref<10000xi32, #tpu.memory_space<vmem>> -> memref<40xi32, #tpu.memory_space<vmem>>
      %dma_start3A_369 = arith.constant 0 : i32
      %dma_start3A_370 = arith.constant 0 : i32
      %dma_start3A_371 = tpu.memref_slice %arg5[%dma_start3A_369, %dma_start3A_370] : memref<10000x128xf32, #tpu.memory_space<vmem_shared>> -> memref<10000x128xf32, #tpu.memory_space<vmem_shared>>
      tpu.enqueue_indirect_dma source(%dma_start3A_371 : memref<10000x128xf32, #tpu.memory_space<vmem_shared>>) target(%arg13 : memref<40x128xf32, #tpu.memory_space<vmem>>) offsets(%dma_start3A_368 : memref<40xi32, #tpu.memory_space<vmem>>) semaphore(%arg21 : memref<!tpu.dma_semaphore, #tpu.memory_space<semaphore_mem>>)
      %sub3A_372 = arith.constant 1 : i32
      %sub3A_373 = arith.subi %scan3A_211, %sub3A_372 : i32
      %mul3A_374 = arith.constant 8 : i32
      %mul3A_375 = arith.muli %sub3A_373, %mul3A_374 : i32
      %add3A_376 = arith.constant 7 : i32
      %add3A_377 = arith.addi %mul3A_375, %add3A_376 : i32
      %mul3A_378 = arith.constant 40 : i32
      %mul3A_379 = arith.muli %add3A_377, %mul3A_378 : i32
      %add3A_380 = arith.addi %mul3A_2, %mul3A_379 : i32
      %dma_wait3A_381 = arith.constant 0 : i32
      %dma_wait3A_382 = tpu.memref_slice %arg4[%add3A_380, %dma_wait3A_381] : memref<320000x128xf32, #tpu.memory_space<hbm>> -> memref<40x128xf32, #tpu.memory_space<hbm>>
      %dma_wait3A_383 = arith.constant 0 : i32
      %dma_wait3A_384 = tpu.memref_slice %arg4[%add3A_380, %dma_wait3A_383] : memref<320000x128xf32, #tpu.memory_space<hbm>> -> memref<40x128xf32, #tpu.memory_space<hbm>>
      tpu.wait_dma2 semaphore(%arg30 : memref<!tpu.dma_semaphore, #tpu.memory_space<semaphore_mem>>) src(%arg14 : memref<40x128xf32, #tpu.memory_space<vmem>>) dst(%dma_wait3A_384 : memref<40x128xf32, #tpu.memory_space<hbm>>)
      %mul3A_385 = arith.constant 8 : i32
      %mul3A_386 = arith.muli %scan3A_211, %mul3A_385 : i32
      %add3A_387 = arith.constant 7 : i32
      %add3A_388 = arith.addi %mul3A_386, %add3A_387 : i32
      %mul3A_389 = arith.constant 40 : i32
      %mul3A_390 = arith.muli %add3A_388, %mul3A_389 : i32
      %dma_start3A_391 = tpu.memref_slice %arg6[%mul3A_390] : memref<10000xi32, #tpu.memory_space<vmem>> -> memref<40xi32, #tpu.memory_space<vmem>>
      %dma_start3A_392 = arith.constant 0 : i32
      %dma_start3A_393 = arith.constant 0 : i32
      %dma_start3A_394 = tpu.memref_slice %arg5[%dma_start3A_392, %dma_start3A_393] : memref<10000x128xf32, #tpu.memory_space<vmem_shared>> -> memref<10000x128xf32, #tpu.memory_space<vmem_shared>>
      tpu.enqueue_indirect_dma source(%dma_start3A_394 : memref<10000x128xf32, #tpu.memory_space<vmem_shared>>) target(%arg14 : memref<40x128xf32, #tpu.memory_space<vmem>>) offsets(%dma_start3A_391 : memref<40xi32, #tpu.memory_space<vmem>>) semaphore(%arg22 : memref<!tpu.dma_semaphore, #tpu.memory_space<semaphore_mem>>)
      %dma_wait3A_395 = tpu.memref_slice %arg6[%mul3A_229] : memref<10000xi32, #tpu.memory_space<vmem>> -> memref<40xi32, #tpu.memory_space<vmem>>
      %dma_wait3A_396 = arith.constant 0 : i32
      %dma_wait3A_397 = arith.constant 0 : i32
      %dma_wait3A_398 = tpu.memref_slice %arg5[%dma_wait3A_396, %dma_wait3A_397] : memref<10000x128xf32, #tpu.memory_space<vmem_shared>> -> memref<10000x128xf32, #tpu.memory_space<vmem_shared>>
      tpu.wait_indirect_dma semaphore(%arg15 : memref<!tpu.dma_semaphore, #tpu.memory_space<semaphore_mem>>) src(%dma_wait3A_398 : memref<10000x128xf32, #tpu.memory_space<vmem_shared>>) dst(%arg7 : memref<40x128xf32, #tpu.memory_space<vmem>>)
      %mul3A_399 = arith.constant 8 : i32
      %mul3A_400 = arith.muli %scan3A_211, %mul3A_399 : i32
      %add3A_401 = arith.constant 0 : i32
      %add3A_402 = arith.addi %mul3A_400, %add3A_401 : i32
      %mul3A_403 = arith.constant 40 : i32
      %mul3A_404 = arith.muli %add3A_402, %mul3A_403 : i32
      %add3A_405 = arith.addi %mul3A_2, %mul3A_404 : i32
      %dma_start3A_406 = arith.constant 0 : i32
      %dma_start3A_407 = tpu.memref_slice %arg4[%add3A_405, %dma_start3A_406] : memref<320000x128xf32, #tpu.memory_space<hbm>> -> memref<40x128xf32, #tpu.memory_space<hbm>>
      %dma_start3A_408 = arith.constant 0 : i32
      %dma_start3A_409 = tpu.memref_slice %arg4[%add3A_405, %dma_start3A_408] : memref<320000x128xf32, #tpu.memory_space<hbm>> -> memref<40x128xf32, #tpu.memory_space<hbm>>
      tpu.enqueue_dma source(%arg7 : memref<40x128xf32, #tpu.memory_space<vmem>>) target(%dma_start3A_409 : memref<40x128xf32, #tpu.memory_space<hbm>>) target_semaphore(%arg23 : memref<!tpu.dma_semaphore, #tpu.memory_space<semaphore_mem>>)
      %dma_wait3A_410 = tpu.memref_slice %arg6[%mul3A_252] : memref<10000xi32, #tpu.memory_space<vmem>> -> memref<40xi32, #tpu.memory_space<vmem>>
      %dma_wait3A_411 = arith.constant 0 : i32
      %dma_wait3A_412 = arith.constant 0 : i32
      %dma_wait3A_413 = tpu.memref_slice %arg5[%dma_wait3A_411, %dma_wait3A_412] : memref<10000x128xf32, #tpu.memory_space<vmem_shared>> -> memref<10000x128xf32, #tpu.memory_space<vmem_shared>>
      tpu.wait_indirect_dma semaphore(%arg16 : memref<!tpu.dma_semaphore, #tpu.memory_space<semaphore_mem>>) src(%dma_wait3A_413 : memref<10000x128xf32, #tpu.memory_space<vmem_shared>>) dst(%arg8 : memref<40x128xf32, #tpu.memory_space<vmem>>)
      %mul3A_414 = arith.constant 8 : i32
      %mul3A_415 = arith.muli %scan3A_211, %mul3A_414 : i32
      %add3A_416 = arith.constant 1 : i32
      %add3A_417 = arith.addi %mul3A_415, %add3A_416 : i32
      %mul3A_418 = arith.constant 40 : i32
      %mul3A_419 = arith.muli %add3A_417, %mul3A_418 : i32
      %add3A_420 = arith.addi %mul3A_2, %mul3A_419 : i32
      %dma_start3A_421 = arith.constant 0 : i32
      %dma_start3A_422 = tpu.memref_slice %arg4[%add3A_420, %dma_start3A_421] : memref<320000x128xf32, #tpu.memory_space<hbm>> -> memref<40x128xf32, #tpu.memory_space<hbm>>
      %dma_start3A_423 = arith.constant 0 : i32
      %dma_start3A_424 = tpu.memref_slice %arg4[%add3A_420, %dma_start3A_423] : memref<320000x128xf32, #tpu.memory_space<hbm>> -> memref<40x128xf32, #tpu.memory_space<hbm>>
      tpu.enqueue_dma source(%arg8 : memref<40x128xf32, #tpu.memory_space<vmem>>) target(%dma_start3A_424 : memref<40x128xf32, #tpu.memory_space<hbm>>) target_semaphore(%arg24 : memref<!tpu.dma_semaphore, #tpu.memory_space<semaphore_mem>>)
      %dma_wait3A_425 = tpu.memref_slice %arg6[%mul3A_275] : memref<10000xi32, #tpu.memory_space<vmem>> -> memref<40xi32, #tpu.memory_space<vmem>>
      %dma_wait3A_426 = arith.constant 0 : i32
      %dma_wait3A_427 = arith.constant 0 : i32
      %dma_wait3A_428 = tpu.memref_slice %arg5[%dma_wait3A_426, %dma_wait3A_427] : memref<10000x128xf32, #tpu.memory_space<vmem_shared>> -> memref<10000x128xf32, #tpu.memory_space<vmem_shared>>
      tpu.wait_indirect_dma semaphore(%arg17 : memref<!tpu.dma_semaphore, #tpu.memory_space<semaphore_mem>>) src(%dma_wait3A_428 : memref<10000x128xf32, #tpu.memory_space<vmem_shared>>) dst(%arg9 : memref<40x128xf32, #tpu.memory_space<vmem>>)
      %mul3A_429 = arith.constant 8 : i32
      %mul3A_430 = arith.muli %scan3A_211, %mul3A_429 : i32
      %add3A_431 = arith.constant 2 : i32
      %add3A_432 = arith.addi %mul3A_430, %add3A_431 : i32
      %mul3A_433 = arith.constant 40 : i32
      %mul3A_434 = arith.muli %add3A_432, %mul3A_433 : i32
      %add3A_435 = arith.addi %mul3A_2, %mul3A_434 : i32
      %dma_start3A_436 = arith.constant 0 : i32
      %dma_start3A_437 = tpu.memref_slice %arg4[%add3A_435, %dma_start3A_436] : memref<320000x128xf32, #tpu.memory_space<hbm>> -> memref<40x128xf32, #tpu.memory_space<hbm>>
      %dma_start3A_438 = arith.constant 0 : i32
      %dma_start3A_439 = tpu.memref_slice %arg4[%add3A_435, %dma_start3A_438] : memref<320000x128xf32, #tpu.memory_space<hbm>> -> memref<40x128xf32, #tpu.memory_space<hbm>>
      tpu.enqueue_dma source(%arg9 : memref<40x128xf32, #tpu.memory_space<vmem>>) target(%dma_start3A_439 : memref<40x128xf32, #tpu.memory_space<hbm>>) target_semaphore(%arg25 : memref<!tpu.dma_semaphore, #tpu.memory_space<semaphore_mem>>)
      %dma_wait3A_440 = tpu.memref_slice %arg6[%mul3A_298] : memref<10000xi32, #tpu.memory_space<vmem>> -> memref<40xi32, #tpu.memory_space<vmem>>
      %dma_wait3A_441 = arith.constant 0 : i32
      %dma_wait3A_442 = arith.constant 0 : i32
      %dma_wait3A_443 = tpu.memref_slice %arg5[%dma_wait3A_441, %dma_wait3A_442] : memref<10000x128xf32, #tpu.memory_space<vmem_shared>> -> memref<10000x128xf32, #tpu.memory_space<vmem_shared>>
      tpu.wait_indirect_dma semaphore(%arg18 : memref<!tpu.dma_semaphore, #tpu.memory_space<semaphore_mem>>) src(%dma_wait3A_443 : memref<10000x128xf32, #tpu.memory_space<vmem_shared>>) dst(%arg10 : memref<40x128xf32, #tpu.memory_space<vmem>>)
      %mul3A_444 = arith.constant 8 : i32
      %mul3A_445 = arith.muli %scan3A_211, %mul3A_444 : i32
      %add3A_446 = arith.constant 3 : i32
      %add3A_447 = arith.addi %mul3A_445, %add3A_446 : i32
      %mul3A_448 = arith.constant 40 : i32
      %mul3A_449 = arith.muli %add3A_447, %mul3A_448 : i32
      %add3A_450 = arith.addi %mul3A_2, %mul3A_449 : i32
      %dma_start3A_451 = arith.constant 0 : i32
      %dma_start3A_452 = tpu.memref_slice %arg4[%add3A_450, %dma_start3A_451] : memref<320000x128xf32, #tpu.memory_space<hbm>> -> memref<40x128xf32, #tpu.memory_space<hbm>>
      %dma_start3A_453 = arith.constant 0 : i32
      %dma_start3A_454 = tpu.memref_slice %arg4[%add3A_450, %dma_start3A_453] : memref<320000x128xf32, #tpu.memory_space<hbm>> -> memref<40x128xf32, #tpu.memory_space<hbm>>
      tpu.enqueue_dma source(%arg10 : memref<40x128xf32, #tpu.memory_space<vmem>>) target(%dma_start3A_454 : memref<40x128xf32, #tpu.memory_space<hbm>>) target_semaphore(%arg26 : memref<!tpu.dma_semaphore, #tpu.memory_space<semaphore_mem>>)
      %dma_wait3A_455 = tpu.memref_slice %arg6[%mul3A_321] : memref<10000xi32, #tpu.memory_space<vmem>> -> memref<40xi32, #tpu.memory_space<vmem>>
      %dma_wait3A_456 = arith.constant 0 : i32
      %dma_wait3A_457 = arith.constant 0 : i32
      %dma_wait3A_458 = tpu.memref_slice %arg5[%dma_wait3A_456, %dma_wait3A_457] : memref<10000x128xf32, #tpu.memory_space<vmem_shared>> -> memref<10000x128xf32, #tpu.memory_space<vmem_shared>>
      tpu.wait_indirect_dma semaphore(%arg19 : memref<!tpu.dma_semaphore, #tpu.memory_space<semaphore_mem>>) src(%dma_wait3A_458 : memref<10000x128xf32, #tpu.memory_space<vmem_shared>>) dst(%arg11 : memref<40x128xf32, #tpu.memory_space<vmem>>)
      %mul3A_459 = arith.constant 8 : i32
      %mul3A_460 = arith.muli %scan3A_211, %mul3A_459 : i32
      %add3A_461 = arith.constant 4 : i32
      %add3A_462 = arith.addi %mul3A_460, %add3A_461 : i32
      %mul3A_463 = arith.constant 40 : i32
      %mul3A_464 = arith.muli %add3A_462, %mul3A_463 : i32
      %add3A_465 = arith.addi %mul3A_2, %mul3A_464 : i32
      %dma_start3A_466 = arith.constant 0 : i32
      %dma_start3A_467 = tpu.memref_slice %arg4[%add3A_465, %dma_start3A_466] : memref<320000x128xf32, #tpu.memory_space<hbm>> -> memref<40x128xf32, #tpu.memory_space<hbm>>
      %dma_start3A_468 = arith.constant 0 : i32
      %dma_start3A_469 = tpu.memref_slice %arg4[%add3A_465, %dma_start3A_468] : memref<320000x128xf32, #tpu.memory_space<hbm>> -> memref<40x128xf32, #tpu.memory_space<hbm>>
      tpu.enqueue_dma source(%arg11 : memref<40x128xf32, #tpu.memory_space<vmem>>) target(%dma_start3A_469 : memref<40x128xf32, #tpu.memory_space<hbm>>) target_semaphore(%arg27 : memref<!tpu.dma_semaphore, #tpu.memory_space<semaphore_mem>>)
      %dma_wait3A_470 = tpu.memref_slice %arg6[%mul3A_344] : memref<10000xi32, #tpu.memory_space<vmem>> -> memref<40xi32, #tpu.memory_space<vmem>>
      %dma_wait3A_471 = arith.constant 0 : i32
      %dma_wait3A_472 = arith.constant 0 : i32
      %dma_wait3A_473 = tpu.memref_slice %arg5[%dma_wait3A_471, %dma_wait3A_472] : memref<10000x128xf32, #tpu.memory_space<vmem_shared>> -> memref<10000x128xf32, #tpu.memory_space<vmem_shared>>
      tpu.wait_indirect_dma semaphore(%arg20 : memref<!tpu.dma_semaphore, #tpu.memory_space<semaphore_mem>>) src(%dma_wait3A_473 : memref<10000x128xf32, #tpu.memory_space<vmem_shared>>) dst(%arg12 : memref<40x128xf32, #tpu.memory_space<vmem>>)
      %mul3A_474 = arith.constant 8 : i32
      %mul3A_475 = arith.muli %scan3A_211, %mul3A_474 : i32
      %add3A_476 = arith.constant 5 : i32
      %add3A_477 = arith.addi %mul3A_475, %add3A_476 : i32
      %mul3A_478 = arith.constant 40 : i32
      %mul3A_479 = arith.muli %add3A_477, %mul3A_478 : i32
      %add3A_480 = arith.addi %mul3A_2, %mul3A_479 : i32
      %dma_start3A_481 = arith.constant 0 : i32
      %dma_start3A_482 = tpu.memref_slice %arg4[%add3A_480, %dma_start3A_481] : memref<320000x128xf32, #tpu.memory_space<hbm>> -> memref<40x128xf32, #tpu.memory_space<hbm>>
      %dma_start3A_483 = arith.constant 0 : i32
      %dma_start3A_484 = tpu.memref_slice %arg4[%add3A_480, %dma_start3A_483] : memref<320000x128xf32, #tpu.memory_space<hbm>> -> memref<40x128xf32, #tpu.memory_space<hbm>>
      tpu.enqueue_dma source(%arg12 : memref<40x128xf32, #tpu.memory_space<vmem>>) target(%dma_start3A_484 : memref<40x128xf32, #tpu.memory_space<hbm>>) target_semaphore(%arg28 : memref<!tpu.dma_semaphore, #tpu.memory_space<semaphore_mem>>)
      %dma_wait3A_485 = tpu.memref_slice %arg6[%mul3A_367] : memref<10000xi32, #tpu.memory_space<vmem>> -> memref<40xi32, #tpu.memory_space<vmem>>
      %dma_wait3A_486 = arith.constant 0 : i32
      %dma_wait3A_487 = arith.constant 0 : i32
      %dma_wait3A_488 = tpu.memref_slice %arg5[%dma_wait3A_486, %dma_wait3A_487] : memref<10000x128xf32, #tpu.memory_space<vmem_shared>> -> memref<10000x128xf32, #tpu.memory_space<vmem_shared>>
      tpu.wait_indirect_dma semaphore(%arg21 : memref<!tpu.dma_semaphore, #tpu.memory_space<semaphore_mem>>) src(%dma_wait3A_488 : memref<10000x128xf32, #tpu.memory_space<vmem_shared>>) dst(%arg13 : memref<40x128xf32, #tpu.memory_space<vmem>>)
      %mul3A_489 = arith.constant 8 : i32
      %mul3A_490 = arith.muli %scan3A_211, %mul3A_489 : i32
      %add3A_491 = arith.constant 6 : i32
      %add3A_492 = arith.addi %mul3A_490, %add3A_491 : i32
      %mul3A_493 = arith.constant 40 : i32
      %mul3A_494 = arith.muli %add3A_492, %mul3A_493 : i32
      %add3A_495 = arith.addi %mul3A_2, %mul3A_494 : i32
      %dma_start3A_496 = arith.constant 0 : i32
      %dma_start3A_497 = tpu.memref_slice %arg4[%add3A_495, %dma_start3A_496] : memref<320000x128xf32, #tpu.memory_space<hbm>> -> memref<40x128xf32, #tpu.memory_space<hbm>>
      %dma_start3A_498 = arith.constant 0 : i32
      %dma_start3A_499 = tpu.memref_slice %arg4[%add3A_495, %dma_start3A_498] : memref<320000x128xf32, #tpu.memory_space<hbm>> -> memref<40x128xf32, #tpu.memory_space<hbm>>
      tpu.enqueue_dma source(%arg13 : memref<40x128xf32, #tpu.memory_space<vmem>>) target(%dma_start3A_499 : memref<40x128xf32, #tpu.memory_space<hbm>>) target_semaphore(%arg29 : memref<!tpu.dma_semaphore, #tpu.memory_space<semaphore_mem>>)
      %dma_wait3A_500 = tpu.memref_slice %arg6[%mul3A_390] : memref<10000xi32, #tpu.memory_space<vmem>> -> memref<40xi32, #tpu.memory_space<vmem>>
      %dma_wait3A_501 = arith.constant 0 : i32
      %dma_wait3A_502 = arith.constant 0 : i32
      %dma_wait3A_503 = tpu.memref_slice %arg5[%dma_wait3A_501, %dma_wait3A_502] : memref<10000x128xf32, #tpu.memory_space<vmem_shared>> -> memref<10000x128xf32, #tpu.memory_space<vmem_shared>>
      tpu.wait_indirect_dma semaphore(%arg22 : memref<!tpu.dma_semaphore, #tpu.memory_space<semaphore_mem>>) src(%dma_wait3A_503 : memref<10000x128xf32, #tpu.memory_space<vmem_shared>>) dst(%arg14 : memref<40x128xf32, #tpu.memory_space<vmem>>)
      %mul3A_504 = arith.constant 8 : i32
      %mul3A_505 = arith.muli %scan3A_211, %mul3A_504 : i32
      %add3A_506 = arith.constant 7 : i32
      %add3A_507 = arith.addi %mul3A_505, %add3A_506 : i32
      %mul3A_508 = arith.constant 40 : i32
      %mul3A_509 = arith.muli %add3A_507, %mul3A_508 : i32
      %add3A_510 = arith.addi %mul3A_2, %mul3A_509 : i32
      %dma_start3A_511 = arith.constant 0 : i32
      %dma_start3A_512 = tpu.memref_slice %arg4[%add3A_510, %dma_start3A_511] : memref<320000x128xf32, #tpu.memory_space<hbm>> -> memref<40x128xf32, #tpu.memory_space<hbm>>
      %dma_start3A_513 = arith.constant 0 : i32
      %dma_start3A_514 = tpu.memref_slice %arg4[%add3A_510, %dma_start3A_513] : memref<320000x128xf32, #tpu.memory_space<hbm>> -> memref<40x128xf32, #tpu.memory_space<hbm>>
      tpu.enqueue_dma source(%arg14 : memref<40x128xf32, #tpu.memory_space<vmem>>) target(%dma_start3A_514 : memref<40x128xf32, #tpu.memory_space<hbm>>) target_semaphore(%arg30 : memref<!tpu.dma_semaphore, #tpu.memory_space<semaphore_mem>>)
    }
    %scan3A_138 = arith.constant 30 : i32
    %add3A_139 = arith.constant 9600 : i32
    %add3A_140 = arith.addi %mul3A_2, %add3A_139 : i32
    %dma_wait3A_141 = arith.constant 0 : i32
    %dma_wait3A_142 = tpu.memref_slice %arg4[%add3A_140, %dma_wait3A_141] : memref<320000x128xf32, #tpu.memory_space<hbm>> -> memref<40x128xf32, #tpu.memory_space<hbm>>
    %dma_wait3A_143 = arith.constant 0 : i32
    %dma_wait3A_144 = tpu.memref_slice %arg4[%add3A_140, %dma_wait3A_143] : memref<320000x128xf32, #tpu.memory_space<hbm>> -> memref<40x128xf32, #tpu.memory_space<hbm>>
    tpu.wait_dma2 semaphore(%arg23 : memref<!tpu.dma_semaphore, #tpu.memory_space<semaphore_mem>>) src(%arg7 : memref<40x128xf32, #tpu.memory_space<vmem>>) dst(%dma_wait3A_144 : memref<40x128xf32, #tpu.memory_space<hbm>>)
    %add3A_145 = arith.constant 9640 : i32
    %add3A_146 = arith.addi %mul3A_2, %add3A_145 : i32
    %dma_wait3A_147 = arith.constant 0 : i32
    %dma_wait3A_148 = tpu.memref_slice %arg4[%add3A_146, %dma_wait3A_147] : memref<320000x128xf32, #tpu.memory_space<hbm>> -> memref<40x128xf32, #tpu.memory_space<hbm>>
    %dma_wait3A_149 = arith.constant 0 : i32
    %dma_wait3A_150 = tpu.memref_slice %arg4[%add3A_146, %dma_wait3A_149] : memref<320000x128xf32, #tpu.memory_space<hbm>> -> memref<40x128xf32, #tpu.memory_space<hbm>>
    tpu.wait_dma2 semaphore(%arg24 : memref<!tpu.dma_semaphore, #tpu.memory_space<semaphore_mem>>) src(%arg8 : memref<40x128xf32, #tpu.memory_space<vmem>>) dst(%dma_wait3A_150 : memref<40x128xf32, #tpu.memory_space<hbm>>)
    %add3A_151 = arith.constant 9680 : i32
    %add3A_152 = arith.addi %mul3A_2, %add3A_151 : i32
    %dma_wait3A_153 = arith.constant 0 : i32
    %dma_wait3A_154 = tpu.memref_slice %arg4[%add3A_152, %dma_wait3A_153] : memref<320000x128xf32, #tpu.memory_space<hbm>> -> memref<40x128xf32, #tpu.memory_space<hbm>>
    %dma_wait3A_155 = arith.constant 0 : i32
    %dma_wait3A_156 = tpu.memref_slice %arg4[%add3A_152, %dma_wait3A_155] : memref<320000x128xf32, #tpu.memory_space<hbm>> -> memref<40x128xf32, #tpu.memory_space<hbm>>
    tpu.wait_dma2 semaphore(%arg25 : memref<!tpu.dma_semaphore, #tpu.memory_space<semaphore_mem>>) src(%arg9 : memref<40x128xf32, #tpu.memory_space<vmem>>) dst(%dma_wait3A_156 : memref<40x128xf32, #tpu.memory_space<hbm>>)
    %add3A_157 = arith.constant 9720 : i32
    %add3A_158 = arith.addi %mul3A_2, %add3A_157 : i32
    %dma_wait3A_159 = arith.constant 0 : i32
    %dma_wait3A_160 = tpu.memref_slice %arg4[%add3A_158, %dma_wait3A_159] : memref<320000x128xf32, #tpu.memory_space<hbm>> -> memref<40x128xf32, #tpu.memory_space<hbm>>
    %dma_wait3A_161 = arith.constant 0 : i32
    %dma_wait3A_162 = tpu.memref_slice %arg4[%add3A_158, %dma_wait3A_161] : memref<320000x128xf32, #tpu.memory_space<hbm>> -> memref<40x128xf32, #tpu.memory_space<hbm>>
    tpu.wait_dma2 semaphore(%arg26 : memref<!tpu.dma_semaphore, #tpu.memory_space<semaphore_mem>>) src(%arg10 : memref<40x128xf32, #tpu.memory_space<vmem>>) dst(%dma_wait3A_162 : memref<40x128xf32, #tpu.memory_space<hbm>>)
    %add3A_163 = arith.constant 9760 : i32
    %add3A_164 = arith.addi %mul3A_2, %add3A_163 : i32
    %dma_wait3A_165 = arith.constant 0 : i32
    %dma_wait3A_166 = tpu.memref_slice %arg4[%add3A_164, %dma_wait3A_165] : memref<320000x128xf32, #tpu.memory_space<hbm>> -> memref<40x128xf32, #tpu.memory_space<hbm>>
    %dma_wait3A_167 = arith.constant 0 : i32
    %dma_wait3A_168 = tpu.memref_slice %arg4[%add3A_164, %dma_wait3A_167] : memref<320000x128xf32, #tpu.memory_space<hbm>> -> memref<40x128xf32, #tpu.memory_space<hbm>>
    tpu.wait_dma2 semaphore(%arg27 : memref<!tpu.dma_semaphore, #tpu.memory_space<semaphore_mem>>) src(%arg11 : memref<40x128xf32, #tpu.memory_space<vmem>>) dst(%dma_wait3A_168 : memref<40x128xf32, #tpu.memory_space<hbm>>)
    %add3A_169 = arith.constant 9800 : i32
    %add3A_170 = arith.addi %mul3A_2, %add3A_169 : i32
    %dma_wait3A_171 = arith.constant 0 : i32
    %dma_wait3A_172 = tpu.memref_slice %arg4[%add3A_170, %dma_wait3A_171] : memref<320000x128xf32, #tpu.memory_space<hbm>> -> memref<40x128xf32, #tpu.memory_space<hbm>>
    %dma_wait3A_173 = arith.constant 0 : i32
    %dma_wait3A_174 = tpu.memref_slice %arg4[%add3A_170, %dma_wait3A_173] : memref<320000x128xf32, #tpu.memory_space<hbm>> -> memref<40x128xf32, #tpu.memory_space<hbm>>
    tpu.wait_dma2 semaphore(%arg28 : memref<!tpu.dma_semaphore, #tpu.memory_space<semaphore_mem>>) src(%arg12 : memref<40x128xf32, #tpu.memory_space<vmem>>) dst(%dma_wait3A_174 : memref<40x128xf32, #tpu.memory_space<hbm>>)
    %add3A_175 = arith.constant 9840 : i32
    %add3A_176 = arith.addi %mul3A_2, %add3A_175 : i32
    %dma_wait3A_177 = arith.constant 0 : i32
    %dma_wait3A_178 = tpu.memref_slice %arg4[%add3A_176, %dma_wait3A_177] : memref<320000x128xf32, #tpu.memory_space<hbm>> -> memref<40x128xf32, #tpu.memory_space<hbm>>
    %dma_wait3A_179 = arith.constant 0 : i32
    %dma_wait3A_180 = tpu.memref_slice %arg4[%add3A_176, %dma_wait3A_179] : memref<320000x128xf32, #tpu.memory_space<hbm>> -> memref<40x128xf32, #tpu.memory_space<hbm>>
    tpu.wait_dma2 semaphore(%arg29 : memref<!tpu.dma_semaphore, #tpu.memory_space<semaphore_mem>>) src(%arg13 : memref<40x128xf32, #tpu.memory_space<vmem>>) dst(%dma_wait3A_180 : memref<40x128xf32, #tpu.memory_space<hbm>>)
    %add3A_181 = arith.constant 9880 : i32
    %add3A_182 = arith.addi %mul3A_2, %add3A_181 : i32
    %dma_wait3A_183 = arith.constant 0 : i32
    %dma_wait3A_184 = tpu.memref_slice %arg4[%add3A_182, %dma_wait3A_183] : memref<320000x128xf32, #tpu.memory_space<hbm>> -> memref<40x128xf32, #tpu.memory_space<hbm>>
    %dma_wait3A_185 = arith.constant 0 : i32
    %dma_wait3A_186 = tpu.memref_slice %arg4[%add3A_182, %dma_wait3A_185] : memref<320000x128xf32, #tpu.memory_space<hbm>> -> memref<40x128xf32, #tpu.memory_space<hbm>>
    tpu.wait_dma2 semaphore(%arg30 : memref<!tpu.dma_semaphore, #tpu.memory_space<semaphore_mem>>) src(%arg14 : memref<40x128xf32, #tpu.memory_space<vmem>>) dst(%dma_wait3A_186 : memref<40x128xf32, #tpu.memory_space<hbm>>)
    %add3A_187 = arith.constant 9920 : i32
    %add3A_188 = arith.addi %mul3A_2, %add3A_187 : i32
    %dma_start3A_189 = arith.constant 9920 : i32
    %dma_start3A_190 = tpu.memref_slice %arg6[%dma_start3A_189] : memref<10000xi32, #tpu.memory_space<vmem>> -> memref<40xi32, #tpu.memory_space<vmem>>
    %dma_start3A_191 = arith.constant 0 : i32
    %dma_start3A_192 = arith.constant 0 : i32
    %dma_start3A_193 = tpu.memref_slice %arg5[%dma_start3A_191, %dma_start3A_192] : memref<10000x128xf32, #tpu.memory_space<vmem_shared>> -> memref<10000x128xf32, #tpu.memory_space<vmem_shared>>
    tpu.enqueue_indirect_dma source(%dma_start3A_193 : memref<10000x128xf32, #tpu.memory_space<vmem_shared>>) target(%arg7 : memref<40x128xf32, #tpu.memory_space<vmem>>) offsets(%dma_start3A_190 : memref<40xi32, #tpu.memory_space<vmem>>) semaphore(%arg15 : memref<!tpu.dma_semaphore, #tpu.memory_space<semaphore_mem>>)
    %dma_wait3A_194 = arith.constant 9920 : i32
    %dma_wait3A_195 = tpu.memref_slice %arg6[%dma_wait3A_194] : memref<10000xi32, #tpu.memory_space<vmem>> -> memref<40xi32, #tpu.memory_space<vmem>>
    %dma_wait3A_196 = arith.constant 0 : i32
    %dma_wait3A_197 = arith.constant 0 : i32
    %dma_wait3A_198 = tpu.memref_slice %arg5[%dma_wait3A_196, %dma_wait3A_197] : memref<10000x128xf32, #tpu.memory_space<vmem_shared>> -> memref<10000x128xf32, #tpu.memory_space<vmem_shared>>
    tpu.wait_indirect_dma semaphore(%arg15 : memref<!tpu.dma_semaphore, #tpu.memory_space<semaphore_mem>>) src(%dma_wait3A_198 : memref<10000x128xf32, #tpu.memory_space<vmem_shared>>) dst(%arg7 : memref<40x128xf32, #tpu.memory_space<vmem>>)
    "tpu.region"() ({
      %run_scoped3A = tpu.sem_alloc : memref<!tpu.dma_semaphore, #tpu.memory_space<semaphore_mem>>
      %dma_start3A_211 = arith.constant 0 : i32
      %dma_start3A_212 = tpu.memref_slice %arg4[%add3A_188, %dma_start3A_211] : memref<320000x128xf32, #tpu.memory_space<hbm>> -> memref<40x128xf32, #tpu.memory_space<hbm>>
      %dma_start3A_213 = arith.constant 0 : i32
      %dma_start3A_214 = tpu.memref_slice %arg4[%add3A_188, %dma_start3A_213] : memref<320000x128xf32, #tpu.memory_space<hbm>> -> memref<40x128xf32, #tpu.memory_space<hbm>>
      tpu.enqueue_dma source(%arg7 : memref<40x128xf32, #tpu.memory_space<vmem>>) target(%dma_start3A_214 : memref<40x128xf32, #tpu.memory_space<hbm>>) target_semaphore(%run_scoped3A : memref<!tpu.dma_semaphore, #tpu.memory_space<semaphore_mem>>)
      %dma_wait3A_215 = arith.constant 0 : i32
      %dma_wait3A_216 = tpu.memref_slice %arg4[%add3A_188, %dma_wait3A_215] : memref<320000x128xf32, #tpu.memory_space<hbm>> -> memref<40x128xf32, #tpu.memory_space<hbm>>
      %dma_wait3A_217 = arith.constant 0 : i32
      %dma_wait3A_218 = tpu.memref_slice %arg4[%add3A_188, %dma_wait3A_217] : memref<320000x128xf32, #tpu.memory_space<hbm>> -> memref<40x128xf32, #tpu.memory_space<hbm>>
      tpu.wait_dma2 semaphore(%run_scoped3A : memref<!tpu.dma_semaphore, #tpu.memory_space<semaphore_mem>>) src(%arg7 : memref<40x128xf32, #tpu.memory_space<vmem>>) dst(%dma_wait3A_218 : memref<40x128xf32, #tpu.memory_space<hbm>>)
      tpu.yield
    }) : () -> ()
    %add3A_199 = arith.constant 9960 : i32
    %add3A_200 = arith.addi %mul3A_2, %add3A_199 : i32
    %dma_start3A_201 = arith.constant 9960 : i32
    %dma_start3A_202 = tpu.memref_slice %arg6[%dma_start3A_201] : memref<10000xi32, #tpu.memory_space<vmem>> -> memref<40xi32, #tpu.memory_space<vmem>>
    %dma_start3A_203 = arith.constant 0 : i32
    %dma_start3A_204 = arith.constant 0 : i32
    %dma_start3A_205 = tpu.memref_slice %arg5[%dma_start3A_203, %dma_start3A_204] : memref<10000x128xf32, #tpu.memory_space<vmem_shared>> -> memref<10000x128xf32, #tpu.memory_space<vmem_shared>>
    tpu.enqueue_indirect_dma source(%dma_start3A_205 : memref<10000x128xf32, #tpu.memory_space<vmem_shared>>) target(%arg7 : memref<40x128xf32, #tpu.memory_space<vmem>>) offsets(%dma_start3A_202 : memref<40xi32, #tpu.memory_space<vmem>>) semaphore(%arg15 : memref<!tpu.dma_semaphore, #tpu.memory_space<semaphore_mem>>)
    %dma_wait3A_206 = arith.constant 9960 : i32
    %dma_wait3A_207 = tpu.memref_slice %arg6[%dma_wait3A_206] : memref<10000xi32, #tpu.memory_space<vmem>> -> memref<40xi32, #tpu.memory_space<vmem>>
    %dma_wait3A_208 = arith.constant 0 : i32
    %dma_wait3A_209 = arith.constant 0 : i32
    %dma_wait3A_210 = tpu.memref_slice %arg5[%dma_wait3A_208, %dma_wait3A_209] : memref<10000x128xf32, #tpu.memory_space<vmem_shared>> -> memref<10000x128xf32, #tpu.memory_space<vmem_shared>>
    tpu.wait_indirect_dma semaphore(%arg15 : memref<!tpu.dma_semaphore, #tpu.memory_space<semaphore_mem>>) src(%dma_wait3A_210 : memref<10000x128xf32, #tpu.memory_space<vmem_shared>>) dst(%arg7 : memref<40x128xf32, #tpu.memory_space<vmem>>)
    "tpu.region"() ({
      %run_scoped3A = tpu.sem_alloc : memref<!tpu.dma_semaphore, #tpu.memory_space<semaphore_mem>>
      %dma_start3A_211 = arith.constant 0 : i32
      %dma_start3A_212 = tpu.memref_slice %arg4[%add3A_200, %dma_start3A_211] : memref<320000x128xf32, #tpu.memory_space<hbm>> -> memref<40x128xf32, #tpu.memory_space<hbm>>
      %dma_start3A_213 = arith.constant 0 : i32
      %dma_start3A_214 = tpu.memref_slice %arg4[%add3A_200, %dma_start3A_213] : memref<320000x128xf32, #tpu.memory_space<hbm>> -> memref<40x128xf32, #tpu.memory_space<hbm>>
      tpu.enqueue_dma source(%arg7 : memref<40x128xf32, #tpu.memory_space<vmem>>) target(%dma_start3A_214 : memref<40x128xf32, #tpu.memory_space<hbm>>) target_semaphore(%run_scoped3A : memref<!tpu.dma_semaphore, #tpu.memory_space<semaphore_mem>>)
      %dma_wait3A_215 = arith.constant 0 : i32
      %dma_wait3A_216 = tpu.memref_slice %arg4[%add3A_200, %dma_wait3A_215] : memref<320000x128xf32, #tpu.memory_space<hbm>> -> memref<40x128xf32, #tpu.memory_space<hbm>>
      %dma_wait3A_217 = arith.constant 0 : i32
      %dma_wait3A_218 = tpu.memref_slice %arg4[%add3A_200, %dma_wait3A_217] : memref<320000x128xf32, #tpu.memory_space<hbm>> -> memref<40x128xf32, #tpu.memory_space<hbm>>
      tpu.wait_dma2 semaphore(%run_scoped3A : memref<!tpu.dma_semaphore, #tpu.memory_space<semaphore_mem>>) src(%arg7 : memref<40x128xf32, #tpu.memory_space<vmem>>) dst(%dma_wait3A_218 : memref<40x128xf32, #tpu.memory_space<hbm>>)
      tpu.yield
    }) : () -> ()
    return
  }
}

</mosaic_0001>

<sc_bundles>
// kernel: kernel.3.cloned.1.call-start
scs
__scs_entry_jumppad:
0x0: {  	(pc) =	sbr.rel $0x88, $3  }
0x1: {  	(tag) =	ssettag $0x0;
	lr =	simm.s32 $0x1  }
0x2: {  	[smem:$0x3F9F] =	sst lr;
	_ =	strace $0xD0000000  }
0x3: {  	_ = 	snop  }
0x4: {  	_ = 	snop  }
0x5: {  	_ = 	snop  }
0x6: {  	_ = 	snop  }
0x7: {  	_ = 	snop  }
__scs_overlays_trampoline_lowered:
0x8: {  	[smem:$0x3FAE] =	sst s0  }
0x9: {  	[smem:$0x3FAF] =	sst s1  }
0xa: {  	[smem:$0x3FB0] =	sst s2  }
0xb: {  	[smem:$0x3FB1] =	sst s3  }
0xc: {  	[smem:$0x3FB2] =	sst s4  }
0xd: {  	[smem:$0x3FB3] =	sst s5  }
0xe: {  	[smem:$0x3FB4] =	sst s6  }
0xf: {  	[smem:$0x3FB5] =	sst s7  }
0x10: {  	[smem:$0x3FB6] =	sst s8  }
0x11: {  	[smem:$0x3FB7] =	sst s9;
	s0 =	simm.s32 @!p0 $0x0  }
0x12: {  	s1 =	sld [smem:$0x3F9D];
	s0 =	simm.s32 @p0 $0x1  }
0x13: {  	[smem:$0x3FB8] =	sst s0;
	s0 =	simm.s32 @!p1 $0x0  }
0x14: {  	s2 =	sld [smem:$0x3F9C];
	s0 =	simm.s32 @p1 $0x1  }
0x15: {  	[smem:$0x3FB9] =	sst s0;
	s0 =	simm.s32 @!p2 $0x0  }
0x16: {  	s3 =	sld [smem:$0x3FDB];
	s0 =	simm.s32 @p2 $0x1  }
0x17: {  	s4 =	simm.s32 $0x1BF5;
	[smem:$0x3FBB] =	sst s0  }
0x18: {  	s0 =	sld [smem:$0x3F9E];
	_ =	swait.ge [sflag:s4], $0x0  }
0x19: {  	s7 =	sld [smem:$0x3F9F]  }
0x1a: {  	s8 =	sadd.s32 $0xFFFFE003, lr  }
0x1b: {  	s9 =	sadd.s32 $0xFFFFFEF7, lr;
	s5 =	simm.s32 $0xFFFFFFFF;
	p2 =	slt.u32 s8, $0xFFFFF086  }
0x1c: {  	p1 =	slt.u32 s9, $0xF7A;
	s5 =	simm.s32 @!p2 $0x0  }
0x1d: {  	s5 =	simm.s32 @p1 $0x1;
	p0 =	seq.s32 s7, s2  }
0x1e: {  	s7 =	smul.u32 @!p0 $0xF7A, s2;
	p2 =	seq.s32 @!p0 s5, $0x0  }
0x1f: {  	s9 =	smul.u32 $0xF7A, s1;
	s8 =	simm.s32 @!p0 $0x1BF5;
	p2 =	por !p2, p0  }
0x20: {  	[sflag:s8] =	ssyncset.s32 @!p0 $0xFFFFF086;
	s6 =	sadd.s32 @!p0 s3, s7;
	s7 =	simm.s32 @!p0 $0x108  }
0x21: {  	s3 =	sadd.s32 s3, s9;
	s6 =	sadd.s32 @!p0 $0x88, s6;
	s7 =	simm.s32 @p2 $0x1082  }
0x22: {  	[simem:s7], [sflag:s8] =	dma.local @!p0 [hbm:s6], $0xF7A  }
0x23: {  	s9 =	sor.u32 $0xD0000000, s2;
	s6 =	simm.s32 $0x108;
	_ =	swait.ge @!p0 [sflag:s8], $0x0  }
0x24: {  	s3 =	sadd.s32 $0x88, s3;
	s6 =	simm.s32 @!p1 $0x1082;
	[sflag:s4] =	ssyncset.s32 $0xFFFFF086  }
0x25: {  	[simem:s6], [sflag:s4] =	dma.local [hbm:s3], $0xF7A  }
0x26: {  	[smem:$0x3F9F] =	sst s1;
	(tag) =	ssettag s2;
	_ =	strace s9  }
0x27: {  	s1 =	sld [smem:$0x3FAF]  }
0x28: {  	s2 =	sld [smem:$0x3FB0]  }
0x29: {  	s4 =	sld [smem:$0x3FB2]  }
0x2a: {  	p0 =	seq.s32 s5, $0x0;
	s5 =	sld [smem:$0x3FB3]  }
0x2b: {  	s6 =	sld [smem:$0x3FB4]  }
0x2c: {  	s7 =	sld [smem:$0x3FB5]  }
0x2d: {  	s3 =	simm.s32 $0x108;
	s8 =	sld [smem:$0x3FB6]  }
0x2e: {  	s3 =	simm.s32 @!p0 $0x1082;
	s9 =	sld [smem:$0x3FB7]  }
0x2f: {  	lr =	sadd.s32 s0, s3;
	s0 =	sld [smem:$0x3FAE]  }
0x30: {  	s3 =	sld [smem:$0x3FB1]  }
0x31: {  	[smem:$0x3FBA] =	sst s10  }
0x32: {  	s10 =	sld [smem:$0x3FB8];
	_ =	sdelay $0x3  }
0x33: {  	p0 =	seq.s32 s10, $0x1;
	s10 =	sld [smem:$0x3FBA];
	_ =	sdelay $0x3  }
0x34: {  	[smem:$0x3FBA] =	sst s10  }
0x35: {  	s10 =	sld [smem:$0x3FB9];
	_ =	sdelay $0x3  }
0x36: {  	p1 =	seq.s32 s10, $0x1;
	s10 =	sld [smem:$0x3FBA];
	_ =	sdelay $0x3  }
0x37: {  	[smem:$0x3FBA] =	sst s10  }
0x38: {  	s10 =	sld [smem:$0x3FBB]  }
0x39: {  	_ = 	snop;
	(pc) =	sbr.ind lr, $3  }
0x3a: {  	_ = 	snop  }
0x3b: {  	_ = 	snop  }
0x3c: {  	p2 =	seq.s32 s10, $0x1;
	s10 =	sld [smem:$0x3FBA]  }
0x3d: {  	_ =	shalt  }
0x3e: {  	_ =	shalt  }
0x3f: {  	_ =	shalt  }
0x40: {  	_ =	shalt  }
0x41: {  	_ =	shalt  }
0x42: {  	_ =	shalt  }
0x43: {  	_ =	shalt  }
0x44: {  	_ =	shalt  }
0x45: {  	_ =	shalt  }
0x46: {  	_ =	shalt  }
0x47: {  	_ =	shalt  }
0x48: {  	_ =	shalt  }
0x49: {  	_ =	shalt  }
0x4a: {  	_ =	shalt  }
0x4b: {  	_ =	shalt  }
0x4c: {  	_ =	shalt  }
0x4d: {  	_ =	shalt  }
0x4e: {  	_ =	shalt  }
0x4f: {  	_ =	shalt  }
0x50: {  	_ =	shalt  }
0x51: {  	_ =	shalt  }
0x52: {  	_ =	shalt  }
0x53: {  	_ =	shalt  }
0x54: {  	_ =	shalt  }
0x55: {  	_ =	shalt  }
0x56: {  	_ =	shalt  }
0x57: {  	_ =	shalt  }
0x58: {  	_ =	shalt  }
0x59: {  	_ =	shalt  }
0x5a: {  	_ =	shalt  }
0x5b: {  	_ =	shalt  }
0x5c: {  	_ =	shalt  }
0x5d: {  	_ =	shalt  }
0x5e: {  	_ =	shalt  }
0x5f: {  	_ =	shalt  }
0x60: {  	_ =	shalt  }
0x61: {  	_ =	shalt  }
0x62: {  	_ =	shalt  }
0x63: {  	_ =	shalt  }
0x64: {  	_ =	shalt  }
0x65: {  	_ =	shalt  }
0x66: {  	_ =	shalt  }
0x67: {  	_ =	shalt  }
0x68: {  	_ =	shalt  }
0x69: {  	_ =	shalt  }
0x6a: {  	_ =	shalt  }
0x6b: {  	_ =	shalt  }
0x6c: {  	_ =	shalt  }
0x6d: {  	_ =	shalt  }
0x6e: {  	_ =	shalt  }
0x6f: {  	_ =	shalt  }
0x70: {  	_ =	shalt  }
0x71: {  	_ =	shalt  }
0x72: {  	_ =	shalt  }
0x73: {  	_ =	shalt  }
0x74: {  	_ =	shalt  }
0x75: {  	_ =	shalt  }
0x76: {  	_ =	shalt  }
0x77: {  	_ =	shalt  }
0x78: {  	_ =	shalt  }
0x79: {  	_ =	shalt  }
0x7a: {  	_ =	shalt  }
0x7b: {  	_ =	shalt  }
0x7c: {  	_ =	shalt  }
0x7d: {  	_ =	shalt  }
0x7e: {  	_ =	shalt  }
0x7f: {  	_ =	shalt  }
0x80: {  	_ =	shalt  }
0x81: {  	_ =	shalt  }
0x82: {  	_ =	shalt  }
0x83: {  	_ =	shalt  }
0x84: {  	_ =	shalt  }
0x85: {  	_ =	shalt  }
0x86: {  	_ =	shalt  }
0x87: {  	_ =	shalt  }
.Lfunc_end0:
.L_simem_size_0:
called_computation_lowered:
.L_overlay_start_0:
0x88: {  	s2 =	sld [smem:$0x3FD9]  }
0x89: {  	s3 =	sld [smem:$0x3FFE];
	_ =	sdelay $0x1  }
0x8a: {  	s1 =	srdreg.scid  }
0x8b: {  	s0 =	sand.u32 $0x1, s1  }
0x8c: {  	s18 =	sshll.u32 s0, $0xA;
	s2 =	sadd.s32 s3, s2  }
0x8d: {  	s2 =	sadd.s32 s2, s18  }
0x8e: {  	[smem:$0x3FC6] =	sst s2  }
0x8f: {  	_ = 	snop  }
0x90: {  	s2 =	sld [smem:$0x3FC9]  }
0x91: {  	s19 =	sld [smem:$0x3FC8]  }
0x92: {  	s4 =	sld [smem:$0x3FD0];
	(tm) =	ssettm $0x1  }
0x93: {  	s5 =	sld [smem:$0x3FFB];
	_ =	sdelay $0x3  }
0x94: {  	_ =	strace s5  }
0x95: {  	s5 =	sld [smem:$0x3FFC];
	_ =	sdelay $0x3  }
0x96: {  	_ =	strace s5  }
0x97: {  	s5 =	sld [smem:$0x3FFD];
	_ =	sdelay $0x3  }
0x98: {  	_ =	strace s5  }
0x99: {  	_ =	strace $0x8FFFFFFF  }
0x9a: {  	s20 =	sld [smem:$0x3FDB];
	_ =	sdelay $0x1  }
0x9b: {  	s6 =	simm.s32 $_scs_section_size  }
0x9c: {  	s7 =	simm.s32 $_size__tile_overlayer_lowered;
	s8 =	simm.s32 $_tile_overlayer_lowered  }
0x9d: {  	s23 =	simm.s32 $0x1BFF;
	s22 =	sshll.u32 s8, $0x1;
	s5 =	sadd.s32 s6, s20  }
0x9e: {  	s9 =	simm.s32 $0x0;
	s21 =	sshll.u32 s7, $0x1;
	s7 =	sadd.s32 s22, s5  }
0x9f: {  	[timem:s9], [sflag:s23] =	dma.local [hbm:s7], s21  }
0xa0: {  	_ =	swait.ge [sflag:s23], s21  }
0xa1: {  	s6 =	ssub.s32 $0x0, s21;
	[sflag:s23] =	ssyncset.done $0x0  }
0xa2: {  	[sflag:s23] =	ssyncadd.s32 s6;
	_ =	sdelay $0x1  }
0xa3: {  	s24 =	simm.s32 $0x1B8B  }
0xa4: {  	_ =	swait.ge [sflag:s24], $0x1  }
0xa5: {  	[sflag:s24] =	ssyncset.done $0x0  }
0xa6: {  	s25 =	simm.s32 $0x1B8E;
	[sflag:s24] =	ssyncadd.s32 $0xFFFFFFFF  }
0xa7: {  	s26 =	simm.s32 $execute0_lowered;
	[smem:$0x3FD2] =	sst s25  }
0xa8: {  	s6 =	sshll.u32 s26, $0x1;
	_ =	strace $0x80000046;
	[dreg:$0x1] =	wrdreg $0xFFFFFFFF  }
0xa9: {  	s28 =	simm.s32 $_size_execute0_lowered;
	s5 =	sadd.s32 s5, s6;
	[dreg:$0x0] =	wrdreg $0x0  }
0xaa: {  	s6 =	sshll.u32 s28, $0x1;
	[dreg:$0x2] =	wrdreg s5  }
0xab: {  	[dreg:$0x3] =	wrdreg s6  }
0xac: {  	[dreg:$0x4] =	wrdreg $0xC0  }
0xad: {  	_ =	task [dreg:s9], $0x5FFFF  }
0xae: {  	[dreg:$0x1] =	wrdreg $0xFFFFFFFF  }
0xaf: {  	[dreg:$0x0] =	wrdreg $0x60  }
0xb0: {  	[dreg:$0x2] =	wrdreg s2  }
0xb1: {  	[dreg:$0x3] =	wrdreg s19  }
0xb2: {  	[dreg:$0x4] =	wrdreg s4  }
0xb3: {  	[dreg:$0x5] =	wrdreg $0x0  }
0xb4: {  	[dreg:$0x6] =	wrdreg $0x9  }
0xb5: {  	_ =	task.clear_ibuf [dreg:s9], $0x7FFFF;
	_ =	strace $0x90000046  }
0xb6: {  	s29 =	simm.s32 $0x9;
	_ =	strace $0x80000048  }
0xb7: {  	_ =	swait.ge [sflag:s29], $0x1  }
0xb8: {  	[sflag:s29] =	ssyncadd.s32 $0xFFFFFFFF  }
0xb9: {  	_ =	strace $0x90000048  }
0xba: {  	_ =	sfence  }
0xbb: {  	s30 =	sld [smem:$0x0];
	_ =	sdelay $0x2  }
0xbc: {  	s31 =	sshll.u32 s1, $0xD;
	s1 =	sshrl.u32 s1, $0x2  }
0xbd: {  	s3 =	sand.u32 $0x4000, s31;
	s1 =	sadd.s32 s1, s30  }
0xbe: {  	s0 =	sor.u32 s3, s0;
	s1 =	sshll.u32 s1, $0x11  }
0xbf: {  	s0 =	sor.u32 s1, s0  }
0xc0: {  	s0 =	sadd.s32 $0x8F2B, s0  }
0xc1: {  	[sflag:s0] =	ssyncadd.remote.s32 $0x1  }
0xc2: {  	_ =	sfence.sel $0xFFFF  }
0xc3: {  	[dreg:$0x0] =	wrdreg $0xFFFFFFFF;
	(pc) =	sbr.abs _section_cstart, $3  }
0xc4: {  	[dreg:$0x1] =	wrdreg $0xFFFFFFFF  }
0xc5: {  	_ =	task.clear_ibuf [dreg:s9], $0x2FFFF;
	_ =	strace $0x9FFFFFFF  }
0xc6: {  	(tm) =	ssettm $0x7FFFFFFF  }
0xc7: {  	_ =	shalt  }
tec
execute0_lowered:
.L_overlay_start_1:
0x0: {  	(tag) =	ssettag $0x1  }
0x1: {  	s11 =	rddreg [dreg:$0x0]  }
0x2: {  	s0 =	rddreg [dreg:$0x1]  }
0x3: {  	s1 =	rddreg [dreg:$0x2];
	s2 =	srdreg.scid  }
0x4: {  	s10 =	stileid.u32;
	s3 =	rddreg [dreg:$0x3];
	s4 =	simm.s32 $0x0  }
0x5: {  	s29 =	simm.s32 $0x18800;
	s31 =	simm.s32 $0x19C00;
	s30 =	simm.s32 $0x1C400  }
0x6: {  	s28 =	simm.s32 $0x1D800;
	s2 =	sand.u32 $0x1, s2;
	s9 =	smul.u32 $0x4E000, s10  }
0x7: {  	s5 =	sshll.u32 s10, $0x1;
	[smem:$0x7FF] =	sst s4;
	s14 =	smul.u32 $0x2700, s10  }
0x8: {  	s15 =	sadd.s32 $0x24900, s11;
	s19 =	smul.u32 $0x4E200, s10;
	p0 =	seq.s32 s10, $0xF  }
0x9: {  	s5 =	sor.u32 s2, s5;
	s6 =	ssub.s32 $0x2, s2;
	s2 =	smul.u32 $0x27100, s2  }
0xa: {  	s10 =	simm.s32 $0x7;
	_ =	strace $0x80000047;
	s7 =	smul.u32 $0x2710, s5  }
0xb: {  	[dreg:$0x8] =	wrdreg s15;
	s15 =	simm.s32 $0xC;
	s12 =	smul.u32 $0x138800, s5  }
0xc: {  	s8 =	sshrl.u32 s6, $0x1;
	s13 =	sshrl.u32 s9, $0x2;
	s5 =	smul.u32 $0x27100, s5  }
0xd: {  	s9 =	simm.s32 $0x6;
	s6 =	ssub.s32 s6, s8;
	s7 =	sshrl.u32 s7, $0x3  }
0xe: {  	s8 =	sshrl.u32 s12, $0x3;
	s5 =	sadd.s32 s1, s5;
	s26 =	smax.u32 s6, $0x1  }
0xf: {  	s6 =	simm.s32 $0x3;
	s12 =	simm.s32 $0x9;
	[dreg:$0x9] =	wrdreg s5  }
0x10: {  	s0 =	sadd.s32 s0, s7;
	s7 =	sadd.s32 s11, s14;
	[dreg:$0x13] =	wrdreg s26  }
0x11: {  	s8 =	sadd.s32 s1, s8;
	s1 =	sadd.s32 s19, s1;
	[dreg:$0x6] =	wrdreg s0  }
0x12: {  	s26 =	simm.s32 $0x17400;
	[dreg:$0x7] =	wrdreg s7;
	s16 =	sadd.s32 $0x280, s8  }
0x13: {  	s5 =	simm.s32 $0x2;
	s17 =	sadd.s32 $0x500, s8;
	[dreg:$0xa] =	wrdreg s16  }
0x14: {  	s11 =	simm.s32 $0x8;
	s18 =	sadd.s32 $0x780, s8;
	[dreg:$0xb] =	wrdreg s17  }
0x15: {  	s14 =	simm.s32 $0xB;
	s20 =	sadd.s32 $0xA00, s8;
	[dreg:$0xc] =	wrdreg s18  }
0x16: {  	s19 =	simm.s32 $0xD;
	s21 =	sadd.s32 $0xC80, s8;
	[dreg:$0xd] =	wrdreg s20  }
0x17: {  	s0 =	sadd.s32 s13, s3;
	s22 =	sadd.s32 $0xF00, s8;
	[dreg:$0xe] =	wrdreg s21  }
0x18: {  	s7 =	sadd.s32 $0x124800, s3;
	s23 =	sadd.s32 $0x1180, s8;
	[dreg:$0xf] =	wrdreg s22  }
0x19: {  	s24 =	sadd.s32 $0x26C00, s8;
	s25 =	sadd.s32 $0x26E80, s8;
	[dreg:$0x10] =	wrdreg s23  }
0x1a: {  	s1 =	sadd.s32 s2, s1;
	s2 =	simm.s32 $0x1EC00;
	[dreg:$0x11] =	wrdreg s24  }
0x1b: {  	s8 =	simm.s32 $0x5;
	s13 =	simm.s32 $0xA;
	[dreg:$0x12] =	wrdreg s25  }
0x1c: {  	[dreg:$0x5] =	wrdreg s1;
	s24 =	simm.s32 $0x11;
	s21 =	simm.s32 $0x28  }
0x1d: {  	s22 =	simm.s32 $0x16000;
	s1 =	sshrl.u32 @p0 s7, $0x3;
	s0 =	sshrl.u32 @!p0 s0, $0x3  }
0x1e: {  	s23 =	simm.s32 $0x1B000;
	s7 =	simm.s32 $0x4;
	s16 =	simm.s32 $0xE  }
0x1f: {  	s17 =	simm.s32 $0xF;
	s18 =	simm.s32 $0x10;
	[dreg:$0x14] =	wrdreg s1  }
0x20: {  	s20 =	simm.s32 $0x0;
	[dreg:$0x15] =	wrdreg s0;
	s0 =	simm.s32 $0x1  }
.LBB2_1:
0x21: {  	[dreg:$0x16] =	wrdreg s20  }
0x22: {  	s1 =	rddreg [dreg:$0x6];
	s25 =	simm.s32 $0x13880  }
0x23: {  	[tilespmem:s25], [sflag:$0x11] =	stream.linear.gather [hbm4b:s1+s4], $0x2710, $0x38;
	v63 =	vld [tilespmem:$0x0]  }
0x24: {  	_ =	swait.ge [sflag:s24], $0x2710  }
0x25: {  	[sflag:s24] =	ssyncset.done $0x0  }
0x26: {  	[sflag:s24] =	ssyncadd.s32 $0xFFFFD8F0  }
0x27: {  	s1 =	rddreg [dreg:$0x0]  }
0x28: {  	[tilespmem:s22], [sflag:$0x1] =	stream.indirect.gather [hbm4b:s1+s21], $0x80, s25, s21, $0xb8;
	v63 =	vld [tilespmem:$0x0]  }
0x29: {  	s25 =	simm.s32 $0x138A8  }
0x2a: {  	[tilespmem:s26], [sflag:$0x2] =	stream.indirect.gather [hbm4b:s1+s21], $0x80, s25, s21, $0xb8;
	v63 =	vld [tilespmem:$0x0]  }
0x2b: {  	s24 =	simm.s32 $0x138D0  }
0x2c: {  	[tilespmem:s29], [sflag:$0x3] =	stream.indirect.gather [hbm4b:s1+s21], $0x80, s24, s21, $0xb8;
	v63 =	vld [tilespmem:$0x0]  }
0x2d: {  	s25 =	simm.s32 $0x138F8  }
0x2e: {  	[tilespmem:s31], [sflag:$0x4] =	stream.indirect.gather [hbm4b:s1+s21], $0x80, s25, s21, $0xb8;
	v63 =	vld [tilespmem:$0x0]  }
0x2f: {  	s24 =	simm.s32 $0x13920  }
0x30: {  	[tilespmem:s23], [sflag:$0x5] =	stream.indirect.gather [hbm4b:s1+s21], $0x80, s24, s21, $0xb8;
	v63 =	vld [tilespmem:$0x0]  }
0x31: {  	s25 =	simm.s32 $0x13948  }
0x32: {  	[tilespmem:s30], [sflag:$0x6] =	stream.indirect.gather [hbm4b:s1+s21], $0x80, s25, s21, $0xb8;
	v63 =	vld [tilespmem:$0x0]  }
0x33: {  	s24 =	simm.s32 $0x13970  }
0x34: {  	[tilespmem:s28], [sflag:$0x7] =	stream.indirect.gather [hbm4b:s1+s21], $0x80, s24, s21, $0xb8;
	v63 =	vld [tilespmem:$0x0]  }
0x35: {  	s20 =	rddreg [dreg:$0x8];
	s25 =	simm.s32 $0x13998  }
0x36: {  	[tilespmem:s2], [sflag:$0x8] =	stream.indirect.gather [hbm4b:s1+s21], $0x80, s25, s21, $0xb8;
	v63 =	vld [tilespmem:$0x0]  }
0x37: {  	s24 =	rddreg [dreg:$0x14];
	s1 =	simm.s32 @p0 $0x1FD1  }
0x38: {  	[spmem:s24], [sflag:s1] =	dma.local @p0 [hbm:s20], $0x2800  }
0x39: {  	s1 =	simm.s32 @p0 $0x11  }
0x3a: {  	s20 =	stileid.u32;
	_ =	swait.ge @p0 [sflag:s1], $0x2800  }
0x3b: {  	s20 =	sshll.u32 @!p0 s20, $0x6;
	[sflag:s1] =	ssyncset.done @p0 $0x0;
	s24 =	rddreg [dreg:$0x15]  }
0x3c: {  	[sflag:s1] =	ssyncadd.s32 @p0 $0xFFFFD800;
	s1 =	sor.u32 @!p0 $0x1C11, s20;
	s20 =	rddreg [dreg:$0x7]  }
0x3d: {  	[spmem:s24], [sflag:s1] =	dma.local @!p0 [hbm:s20], $0x2700  }
0x3e: {  	s1 =	simm.s32 @!p0 $0x11  }
0x3f: {  	_ =	swait.ge @!p0 [sflag:s1], $0x2700  }
0x40: {  	[sflag:s1] =	ssyncset.done @!p0 $0x0  }
0x41: {  	[sflag:s1] =	ssyncadd.s32 @!p0 $0xFFFFD900  }
0x42: {  	_ =	swait.ge [sflag:s0], $0x1400  }
0x43: {  	[sflag:s0] =	ssyncset.done $0x0  }
0x44: {  	s20 =	rddreg [dreg:$0x9];
	[sflag:s0] =	ssyncadd.s32 $0xFFFFEC00  }
0x45: {  	[hbm4b:s20+s4] =	stream.linear.scatter [tilespmem:s22], [sflag:$0x9], $0x1400, $0x38;
	v63 =	vld [tilespmem:$0x0]  }
0x46: {  	_ =	swait.ge [sflag:s5], $0x1400  }
0x47: {  	[sflag:s5] =	ssyncset.done $0x0  }
0x48: {  	s24 =	rddreg [dreg:$0xa];
	[sflag:s5] =	ssyncadd.s32 $0xFFFFEC00  }
0x49: {  	[hbm4b:s24+s4] =	stream.linear.scatter [tilespmem:s26], [sflag:$0xA], $0x1400, $0x38;
	v63 =	vld [tilespmem:$0x0]  }
0x4a: {  	_ =	swait.ge [sflag:s6], $0x1400  }
0x4b: {  	[sflag:s6] =	ssyncset.done $0x0  }
0x4c: {  	s25 =	rddreg [dreg:$0xb];
	[sflag:s6] =	ssyncadd.s32 $0xFFFFEC00  }
0x4d: {  	[hbm4b:s25+s4] =	stream.linear.scatter [tilespmem:s29], [sflag:$0xB], $0x1400, $0x38;
	v63 =	vld [tilespmem:$0x0]  }
0x4e: {  	_ =	swait.ge [sflag:s7], $0x1400  }
0x4f: {  	[sflag:s7] =	ssyncset.done $0x0  }
0x50: {  	s20 =	rddreg [dreg:$0xc];
	[sflag:s7] =	ssyncadd.s32 $0xFFFFEC00  }
0x51: {  	[hbm4b:s20+s4] =	stream.linear.scatter [tilespmem:s31], [sflag:$0xC], $0x1400, $0x38;
	v63 =	vld [tilespmem:$0x0]  }
0x52: {  	_ =	swait.ge [sflag:s8], $0x1400  }
0x53: {  	[sflag:s8] =	ssyncset.done $0x0  }
0x54: {  	s24 =	rddreg [dreg:$0xd];
	[sflag:s8] =	ssyncadd.s32 $0xFFFFEC00  }
0x55: {  	[hbm4b:s24+s4] =	stream.linear.scatter [tilespmem:s23], [sflag:$0xD], $0x1400, $0x38;
	v63 =	vld [tilespmem:$0x0]  }
0x56: {  	_ =	swait.ge [sflag:s9], $0x1400  }
0x57: {  	[sflag:s9] =	ssyncset.done $0x0  }
0x58: {  	s25 =	rddreg [dreg:$0xe];
	[sflag:s9] =	ssyncadd.s32 $0xFFFFEC00  }
0x59: {  	[hbm4b:s25+s4] =	stream.linear.scatter [tilespmem:s30], [sflag:$0xE], $0x1400, $0x38;
	v63 =	vld [tilespmem:$0x0]  }
0x5a: {  	_ =	swait.ge [sflag:s10], $0x1400  }
0x5b: {  	[sflag:s10] =	ssyncset.done $0x0  }
0x5c: {  	s20 =	rddreg [dreg:$0xf];
	[sflag:s10] =	ssyncadd.s32 $0xFFFFEC00  }
0x5d: {  	[hbm4b:s20+s4] =	stream.linear.scatter [tilespmem:s28], [sflag:$0xF], $0x1400, $0x38;
	v63 =	vld [tilespmem:$0x0]  }
0x5e: {  	_ =	swait.ge [sflag:s11], $0x1400  }
0x5f: {  	[sflag:s11] =	ssyncset.done $0x0  }
0x60: {  	s24 =	rddreg [dreg:$0x10];
	[sflag:s11] =	ssyncadd.s32 $0xFFFFEC00  }
0x61: {  	[hbm4b:s24+s4] =	stream.linear.scatter [tilespmem:s2], [sflag:$0x10], $0x1400, $0x38;
	v63 =	vld [tilespmem:$0x0]  }
0x62: {  	[bflag:$0x0] =	sbarrier.arrive $0xFFFF  }
0x63: {  	_ =	swait.ge [sflag:s12], $0x1400  }
0x64: {  	[sflag:s12] =	ssyncset.done $0x0  }
0x65: {  	s25 =	simm.s32 $0x139C0;
	[sflag:s12] =	ssyncadd.s32 $0xFFFFEC00  }
0x66: {  	[tilespmem:s22], [sflag:$0x1] =	stream.indirect.gather [spmem:s3], $0x80, s25, s21, $0xb8;
	v63 =	vld [tilespmem:$0x0]  }
0x67: {  	_ =	swait.ge [sflag:s13], $0x1400  }
0x68: {  	[sflag:s13] =	ssyncset.done $0x0  }
0x69: {  	s20 =	simm.s32 $0x139E8;
	[sflag:s13] =	ssyncadd.s32 $0xFFFFEC00  }
0x6a: {  	[tilespmem:s26], [sflag:$0x2] =	stream.indirect.gather [spmem:s3], $0x80, s20, s21, $0xb8;
	v63 =	vld [tilespmem:$0x0]  }
0x6b: {  	_ =	swait.ge [sflag:s14], $0x1400  }
0x6c: {  	[sflag:s14] =	ssyncset.done $0x0  }
0x6d: {  	s24 =	simm.s32 $0x13A10;
	[sflag:s14] =	ssyncadd.s32 $0xFFFFEC00  }
0x6e: {  	[tilespmem:s29], [sflag:$0x3] =	stream.indirect.gather [spmem:s3], $0x80, s24, s21, $0xb8;
	v63 =	vld [tilespmem:$0x0]  }
0x6f: {  	_ =	swait.ge [sflag:s15], $0x1400  }
0x70: {  	[sflag:s15] =	ssyncset.done $0x0  }
0x71: {  	s25 =	simm.s32 $0x13A38;
	[sflag:s15] =	ssyncadd.s32 $0xFFFFEC00  }
0x72: {  	[tilespmem:s31], [sflag:$0x4] =	stream.indirect.gather [spmem:s3], $0x80, s25, s21, $0xb8;
	v63 =	vld [tilespmem:$0x0]  }
0x73: {  	_ =	swait.ge [sflag:s19], $0x1400  }
0x74: {  	[sflag:s19] =	ssyncset.done $0x0  }
0x75: {  	s20 =	simm.s32 $0x13A60;
	[sflag:s19] =	ssyncadd.s32 $0xFFFFEC00  }
0x76: {  	[tilespmem:s23], [sflag:$0x5] =	stream.indirect.gather [spmem:s3], $0x80, s20, s21, $0xb8;
	v63 =	vld [tilespmem:$0x0]  }
0x77: {  	_ =	swait.ge [sflag:s16], $0x1400  }
0x78: {  	[sflag:s16] =	ssyncset.done $0x0  }
0x79: {  	s24 =	simm.s32 $0x13A88;
	[sflag:s16] =	ssyncadd.s32 $0xFFFFEC00  }
0x7a: {  	[tilespmem:s30], [sflag:$0x6] =	stream.indirect.gather [spmem:s3], $0x80, s24, s21, $0xb8;
	v63 =	vld [tilespmem:$0x0]  }
0x7b: {  	_ =	swait.ge [sflag:s17], $0x1400  }
0x7c: {  	[sflag:s17] =	ssyncset.done $0x0  }
0x7d: {  	s25 =	simm.s32 $0x13AB0;
	[sflag:s17] =	ssyncadd.s32 $0xFFFFEC00  }
0x7e: {  	[tilespmem:s28], [sflag:$0x7] =	stream.indirect.gather [spmem:s3], $0x80, s25, s21, $0xb8;
	v63 =	vld [tilespmem:$0x0]  }
0x7f: {  	_ =	swait.ge [sflag:s18], $0x1400  }
0x80: {  	[sflag:s18] =	ssyncset.done $0x0  }
0x81: {  	s20 =	simm.s32 $0x13AD8;
	[sflag:s18] =	ssyncadd.s32 $0xFFFFEC00  }
0x82: {  	[tilespmem:s2], [sflag:$0x8] =	stream.indirect.gather [spmem:s3], $0x80, s20, s21, $0xb8;
	v63 =	vld [tilespmem:$0x0]  }
0x83: {  	_ =	swait.ge [sflag:s0], $0x1400  }
0x84: {  	s24 =	rddreg [dreg:$0x5]  }
0x85: {  	[sflag:s0] =	ssyncset.done $0x0;
	s1 =	sadd.s32 $0x0, s24  }
0x86: {  	[sflag:s0] =	ssyncadd.s32 $0xFFFFEC00;
	s25 =	sadd.s32 $0x1400, s1  }
0x87: {  	[hbm4b:s25+s4] =	stream.linear.scatter [tilespmem:s22], [sflag:$0x9], $0x1400, $0x38;
	v63 =	vld [tilespmem:$0x0]  }
0x88: {  	_ =	swait.ge [sflag:s5], $0x1400  }
0x89: {  	[sflag:s5] =	ssyncset.done $0x0  }
0x8a: {  	s24 =	sadd.s32 $0x1680, s1;
	[sflag:s5] =	ssyncadd.s32 $0xFFFFEC00  }
0x8b: {  	[hbm4b:s24+s4] =	stream.linear.scatter [tilespmem:s26], [sflag:$0xA], $0x1400, $0x38;
	v63 =	vld [tilespmem:$0x0]  }
0x8c: {  	_ =	swait.ge [sflag:s6], $0x1400  }
0x8d: {  	[sflag:s6] =	ssyncset.done $0x0  }
0x8e: {  	s25 =	sadd.s32 $0x1900, s1;
	[sflag:s6] =	ssyncadd.s32 $0xFFFFEC00  }
0x8f: {  	[hbm4b:s25+s4] =	stream.linear.scatter [tilespmem:s29], [sflag:$0xB], $0x1400, $0x38;
	v63 =	vld [tilespmem:$0x0]  }
0x90: {  	_ =	swait.ge [sflag:s7], $0x1400  }
0x91: {  	[sflag:s7] =	ssyncset.done $0x0  }
0x92: {  	s24 =	sadd.s32 $0x1B80, s1;
	[sflag:s7] =	ssyncadd.s32 $0xFFFFEC00  }
0x93: {  	[hbm4b:s24+s4] =	stream.linear.scatter [tilespmem:s31], [sflag:$0xC], $0x1400, $0x38;
	v63 =	vld [tilespmem:$0x0]  }
0x94: {  	_ =	swait.ge [sflag:s8], $0x1400  }
0x95: {  	[sflag:s8] =	ssyncset.done $0x0  }
0x96: {  	s25 =	sadd.s32 $0x1E00, s1;
	[sflag:s8] =	ssyncadd.s32 $0xFFFFEC00  }
0x97: {  	[hbm4b:s25+s4] =	stream.linear.scatter [tilespmem:s23], [sflag:$0xD], $0x1400, $0x38;
	v63 =	vld [tilespmem:$0x0]  }
0x98: {  	_ =	swait.ge [sflag:s9], $0x1400  }
0x99: {  	[sflag:s9] =	ssyncset.done $0x0  }
0x9a: {  	s24 =	sadd.s32 $0x2080, s1;
	[sflag:s9] =	ssyncadd.s32 $0xFFFFEC00  }
0x9b: {  	[hbm4b:s24+s4] =	stream.linear.scatter [tilespmem:s30], [sflag:$0xE], $0x1400, $0x38;
	v63 =	vld [tilespmem:$0x0]  }
0x9c: {  	_ =	swait.ge [sflag:s10], $0x1400  }
0x9d: {  	[sflag:s10] =	ssyncset.done $0x0  }
0x9e: {  	s25 =	sadd.s32 $0x2300, s1;
	[sflag:s10] =	ssyncadd.s32 $0xFFFFEC00  }
0x9f: {  	[hbm4b:s25+s4] =	stream.linear.scatter [tilespmem:s28], [sflag:$0xF], $0x1400, $0x38;
	v63 =	vld [tilespmem:$0x0]  }
0xa0: {  	_ =	swait.ge [sflag:s11], $0x1400  }
0xa1: {  	s20 =	sadd.s32 $0x2580, s1;
	[sflag:s11] =	ssyncset.done $0x0  }
0xa2: {  	s1 =	simm.s32 $0x13C18;
	s25 =	simm.s32 $0x1400;
	[sflag:s11] =	ssyncadd.s32 $0xFFFFEC00  }
.LBB2_2:
0xa3: {  	[hbm4b:s20+s4] =	stream.linear.scatter [tilespmem:s2], [sflag:$0x10], $0x1400, $0x38;
	v63 =	vld [tilespmem:$0x0]  }
0xa4: {  	_ =	swait.ge [sflag:s12], $0x1400  }
0xa5: {  	[sflag:s12] =	ssyncset.done $0x0  }
0xa6: {  	s24 =	sadd.s32 $0xFFFFFEE8, s1;
	[sflag:s12] =	ssyncadd.s32 $0xFFFFEC00  }
0xa7: {  	[tilespmem:s22], [sflag:$0x1] =	stream.indirect.gather [spmem:s3], $0x80, s24, s21, $0xb8;
	v63 =	vld [tilespmem:$0x0]  }
0xa8: {  	_ =	swait.ge [sflag:s13], $0x1400  }
0xa9: {  	[sflag:s13] =	ssyncset.done $0x0  }
0xaa: {  	s24 =	sadd.s32 $0xFFFFFF10, s1;
	[sflag:s13] =	ssyncadd.s32 $0xFFFFEC00  }
0xab: {  	[tilespmem:s26], [sflag:$0x2] =	stream.indirect.gather [spmem:s3], $0x80, s24, s21, $0xb8;
	v63 =	vld [tilespmem:$0x0]  }
0xac: {  	_ =	swait.ge [sflag:s14], $0x1400  }
0xad: {  	[sflag:s14] =	ssyncset.done $0x0  }
0xae: {  	s24 =	sadd.s32 $0xFFFFFF38, s1;
	[sflag:s14] =	ssyncadd.s32 $0xFFFFEC00  }
0xaf: {  	[tilespmem:s29], [sflag:$0x3] =	stream.indirect.gather [spmem:s3], $0x80, s24, s21, $0xb8;
	v63 =	vld [tilespmem:$0x0]  }
0xb0: {  	_ =	swait.ge [sflag:s15], $0x1400  }
0xb1: {  	[sflag:s15] =	ssyncset.done $0x0  }
0xb2: {  	s24 =	sadd.s32 $0xFFFFFF60, s1;
	[sflag:s15] =	ssyncadd.s32 $0xFFFFEC00  }
0xb3: {  	[tilespmem:s31], [sflag:$0x4] =	stream.indirect.gather [spmem:s3], $0x80, s24, s21, $0xb8;
	v63 =	vld [tilespmem:$0x0]  }
0xb4: {  	_ =	swait.ge [sflag:s19], $0x1400  }
0xb5: {  	[sflag:s19] =	ssyncset.done $0x0  }
0xb6: {  	s24 =	sadd.s32 $0xFFFFFF88, s1;
	[sflag:s19] =	ssyncadd.s32 $0xFFFFEC00  }
0xb7: {  	[tilespmem:s23], [sflag:$0x5] =	stream.indirect.gather [spmem:s3], $0x80, s24, s21, $0xb8;
	v63 =	vld [tilespmem:$0x0]  }
0xb8: {  	_ =	swait.ge [sflag:s16], $0x1400  }
0xb9: {  	[sflag:s16] =	ssyncset.done $0x0  }
0xba: {  	s24 =	sadd.s32 $0xFFFFFFB0, s1;
	[sflag:s16] =	ssyncadd.s32 $0xFFFFEC00  }
0xbb: {  	[tilespmem:s30], [sflag:$0x6] =	stream.indirect.gather [spmem:s3], $0x80, s24, s21, $0xb8;
	v63 =	vld [tilespmem:$0x0]  }
0xbc: {  	_ =	swait.ge [sflag:s17], $0x1400  }
0xbd: {  	[sflag:s17] =	ssyncset.done $0x0  }
0xbe: {  	s24 =	sadd.s32 $0xFFFFFFD8, s1;
	[sflag:s17] =	ssyncadd.s32 $0xFFFFEC00  }
0xbf: {  	[tilespmem:s28], [sflag:$0x7] =	stream.indirect.gather [spmem:s3], $0x80, s24, s21, $0xb8;
	v63 =	vld [tilespmem:$0x0]  }
0xc0: {  	_ =	swait.ge [sflag:s18], $0x1400  }
0xc1: {  	[sflag:s18] =	ssyncset.done $0x0  }
0xc2: {  	[sflag:s18] =	ssyncadd.s32 $0xFFFFEC00  }
0xc3: {  	[tilespmem:s2], [sflag:$0x8] =	stream.indirect.gather [spmem:s3], $0x80, s1, s21, $0xb8;
	v63 =	vld [tilespmem:$0x0]  }
0xc4: {  	_ =	swait.ge [sflag:s0], $0x1400  }
0xc5: {  	s20 =	smov.u32 s25;
	s24 =	rddreg [dreg:$0x5]  }
0xc6: {  	[sflag:s0] =	ssyncset.done $0x0;
	s20 =	sadd.s32 s20, s24  }
0xc7: {  	[sflag:s0] =	ssyncadd.s32 $0xFFFFEC00;
	s24 =	sadd.s32 $0x1400, s20  }
0xc8: {  	[hbm4b:s24+s4] =	stream.linear.scatter [tilespmem:s22], [sflag:$0x9], $0x1400, $0x38;
	v63 =	vld [tilespmem:$0x0]  }
0xc9: {  	_ =	swait.ge [sflag:s5], $0x1400  }
0xca: {  	[sflag:s5] =	ssyncset.done $0x0  }
0xcb: {  	s24 =	sadd.s32 $0x1680, s20;
	[sflag:s5] =	ssyncadd.s32 $0xFFFFEC00  }
0xcc: {  	[hbm4b:s24+s4] =	stream.linear.scatter [tilespmem:s26], [sflag:$0xA], $0x1400, $0x38;
	v63 =	vld [tilespmem:$0x0]  }
0xcd: {  	_ =	swait.ge [sflag:s6], $0x1400  }
0xce: {  	[sflag:s6] =	ssyncset.done $0x0  }
0xcf: {  	s24 =	sadd.s32 $0x1900, s20;
	[sflag:s6] =	ssyncadd.s32 $0xFFFFEC00  }
0xd0: {  	[hbm4b:s24+s4] =	stream.linear.scatter [tilespmem:s29], [sflag:$0xB], $0x1400, $0x38;
	v63 =	vld [tilespmem:$0x0]  }
0xd1: {  	_ =	swait.ge [sflag:s7], $0x1400  }
0xd2: {  	[sflag:s7] =	ssyncset.done $0x0  }
0xd3: {  	s24 =	sadd.s32 $0x1B80, s20;
	[sflag:s7] =	ssyncadd.s32 $0xFFFFEC00  }
0xd4: {  	[hbm4b:s24+s4] =	stream.linear.scatter [tilespmem:s31], [sflag:$0xC], $0x1400, $0x38;
	v63 =	vld [tilespmem:$0x0]  }
0xd5: {  	_ =	swait.ge [sflag:s8], $0x1400  }
0xd6: {  	[sflag:s8] =	ssyncset.done $0x0  }
0xd7: {  	s24 =	sadd.s32 $0x1E00, s20;
	[sflag:s8] =	ssyncadd.s32 $0xFFFFEC00  }
0xd8: {  	[hbm4b:s24+s4] =	stream.linear.scatter [tilespmem:s23], [sflag:$0xD], $0x1400, $0x38;
	v63 =	vld [tilespmem:$0x0]  }
0xd9: {  	_ =	swait.ge [sflag:s9], $0x1400  }
0xda: {  	[sflag:s9] =	ssyncset.done $0x0  }
0xdb: {  	s24 =	sadd.s32 $0x2080, s20;
	[sflag:s9] =	ssyncadd.s32 $0xFFFFEC00  }
0xdc: {  	[hbm4b:s24+s4] =	stream.linear.scatter [tilespmem:s30], [sflag:$0xE], $0x1400, $0x38;
	v63 =	vld [tilespmem:$0x0]  }
0xdd: {  	_ =	swait.ge [sflag:s10], $0x1400  }
0xde: {  	p1 =	sne.s32 s25, $0x24400;
	[sflag:s10] =	ssyncset.done $0x0  }
.Ltmp0:
0xdf: {  	s24 =	sadd.s32 $0x2300, s20;
	[sflag:s10] =	ssyncadd.s32 $0xFFFFEC00;
	(pc) =	sbr.rel @p1 .LBB2_2-.Ltmp0, $4  }
0xe0: {  	[hbm4b:s24+s4] =	stream.linear.scatter [tilespmem:s28], [sflag:$0xF], $0x1400, $0x38;
	v63 =	vld [tilespmem:$0x0]  }
0xe1: {  	_ =	swait.ge [sflag:s11], $0x1400  }
0xe2: {  	s25 =	sadd.s32 $0x1400, s25;
	[sflag:s11] =	ssyncset.done $0x0  }
0xe3: {  	s1 =	sadd.s32 $0x140, s1;
	s20 =	sadd.s32 $0x2580, s20;
	[sflag:s11] =	ssyncadd.s32 $0xFFFFEC00  }
0xe4: {  	[hbm4b:s20+s4] =	stream.linear.scatter [tilespmem:s2], [sflag:$0x10], $0x1400, $0x38;
	v63 =	vld [tilespmem:$0x0]  }
0xe5: {  	_ =	swait.ge [sflag:s12], $0x1400  }
0xe6: {  	[sflag:s12] =	ssyncset.done $0x0  }
0xe7: {  	[sflag:s12] =	ssyncadd.s32 $0xFFFFEC00  }
0xe8: {  	_ =	swait.ge [sflag:s13], $0x1400  }
0xe9: {  	[sflag:s13] =	ssyncset.done $0x0  }
0xea: {  	[sflag:s13] =	ssyncadd.s32 $0xFFFFEC00  }
0xeb: {  	_ =	swait.ge [sflag:s14], $0x1400  }
0xec: {  	[sflag:s14] =	ssyncset.done $0x0  }
0xed: {  	[sflag:s14] =	ssyncadd.s32 $0xFFFFEC00  }
0xee: {  	_ =	swait.ge [sflag:s15], $0x1400  }
0xef: {  	[sflag:s15] =	ssyncset.done $0x0  }
0xf0: {  	[sflag:s15] =	ssyncadd.s32 $0xFFFFEC00  }
0xf1: {  	_ =	swait.ge [sflag:s19], $0x1400  }
0xf2: {  	[sflag:s19] =	ssyncset.done $0x0  }
0xf3: {  	[sflag:s19] =	ssyncadd.s32 $0xFFFFEC00  }
0xf4: {  	_ =	swait.ge [sflag:s16], $0x1400  }
0xf5: {  	[sflag:s16] =	ssyncset.done $0x0  }
0xf6: {  	[sflag:s16] =	ssyncadd.s32 $0xFFFFEC00  }
0xf7: {  	_ =	swait.ge [sflag:s17], $0x1400  }
0xf8: {  	[sflag:s17] =	ssyncset.done $0x0  }
0xf9: {  	[sflag:s17] =	ssyncadd.s32 $0xFFFFEC00  }
0xfa: {  	_ =	swait.ge [sflag:s18], $0x1400  }
0xfb: {  	[sflag:s18] =	ssyncset.done $0x0  }
0xfc: {  	s1 =	simm.s32 $0x15F40;
	[sflag:s18] =	ssyncadd.s32 $0xFFFFEC00  }
0xfd: {  	[tilespmem:s22], [sflag:$0x1] =	stream.indirect.gather [spmem:s3], $0x80, s1, s21, $0xb8;
	v63 =	vld [tilespmem:$0x0]  }
0xfe: {  	_ =	swait.ge [sflag:s0], $0x1400  }
0xff: {  	[sflag:s0] =	ssyncset.done $0x0  }
0x100: {  	s24 =	simm.s32 $0x11;
	s25 =	rddreg [dreg:$0x11];
	[sflag:s0] =	ssyncadd.s32 $0xFFFFEC00  }
0x101: {  	[hbm4b:s25+s4] =	stream.linear.scatter [tilespmem:s22], [sflag:$0x11], $0x1400, $0x38;
	v63 =	vld [tilespmem:$0x0]  }
0x102: {  	_ =	swait.ge [sflag:s24], $0x1400  }
0x103: {  	[sflag:s24] =	ssyncset.done $0x0  }
0x104: {  	s20 =	simm.s32 $0x15F68;
	[sflag:s24] =	ssyncadd.s32 $0xFFFFEC00  }
0x105: {  	[tilespmem:s22], [sflag:$0x1] =	stream.indirect.gather [spmem:s3], $0x80, s20, s21, $0xb8;
	v63 =	vld [tilespmem:$0x0]  }
0x106: {  	_ =	swait.ge [sflag:s0], $0x1400  }
0x107: {  	[sflag:s0] =	ssyncset.done $0x0  }
0x108: {  	s25 =	rddreg [dreg:$0x12];
	[sflag:s0] =	ssyncadd.s32 $0xFFFFEC00  }
0x109: {  	[hbm4b:s25+s4] =	stream.linear.scatter [tilespmem:s22], [sflag:$0x11], $0x1400, $0x38;
	v63 =	vld [tilespmem:$0x0]  }
0x10a: {  	_ =	swait.ge [sflag:s24], $0x1400  }
0x10b: {  	s1 =	rddreg [dreg:$0x16]  }
0x10c: {  	s25 =	rddreg [dreg:$0x13];
	s20 =	sadd.s32 $0x1, s1  }
0x10d: {  	p1 =	sne.s32 s20, s25  }
.Ltmp1:
0x10e: {  	_ = 	snop;
	(pc) =	sbr.rel @p1 .LBB2_1-.Ltmp1, $3  }
0x10f: {  	_ =	sdelay $0x1  }
0x110: {  	[sflag:s24] =	ssyncset.done $0x0  }
0x111: {  	[sflag:s24] =	ssyncadd.s32 $0xFFFFEC00  }
0x112: {  	_ =	sfence.sel $0x180000  }
0x113: {  	[bflag:$0x0] =	sbarrier.arrive $0xFFFF  }
0x114: {  	_ =	strace $0x90000047  }
0x115: {  	s0 =	stileid.u32;
	[bflag:$0x2] =	sbarrier.arrive $0xFFFF  }
0x116: {  	p0 =	sne.s32 s0, $0x0;
	s0 =	rddreg [dreg:$0x4]  }
0x117: {  	s0 =	sadd.s32 @!p0 $0x100000, s0  }
0x118: {  	[sflag:s0] =	ssyncadd.tile.s32 @!p0 $0x1;
	_ =	shalt  }
.Lfunc_end2:
_tile_overlayer_lowered:
.L_overlay_start_2:
0x119: {  	(tag) =	ssettag $0x2  }
0x11a: {  	s0 =	rddreg [dreg:$0x0];
	s2 =	stileid.u32  }
0x11b: {  	s1 =	rddreg [dreg:$0x1];
	p0 =	sne.s32 s2, $0x0  }
0x11c: {  	s3 =	rddreg [dreg:$0x2];
	[bflag:$0x3] =	sbarrier.arrive $0xFFFF;
	s2 =	simm.s32 @!p0 $0x1C11  }
0x11d: {  	[timem:s3], [sflag:s2] =	dma.local @!p0 [hbm:s0], s1  }
0x11e: {  	s0 =	simm.s32 @!p0 $0x11  }
0x11f: {  	_ =	swait.ge @!p0 [sflag:s0], s1  }
0x120: {  	s1 =	ssub.s32 @!p0 $0x0, s1;
	[sflag:s0] =	ssyncset.done @!p0 $0x0  }
0x121: {  	[sflag:s0] =	ssyncadd.s32 @!p0 s1  }
0x122: {  	[bflag:$0x3] =	sbarrier.arrive $0xFFFF  }
0x123: {  	_ =	shalt  }

</sc_bundles>
